<compile_context>
chip_gen: v7x
topology: tpu7x:2x2x1
jax: 0.10.2.dev20260603
libtpu: 0.0.44.dev20260713+nightly
codegen_flags: <defaults>
</compile_context>

<pallas_src>
import functools

import jax
import jax.numpy as jnp
import numpy as np
from jax import lax
from jax.experimental import pallas as pl
from jax.experimental.pallas import tpu as pltpu
from jax.experimental.pallas import tpu_sc as plsc

H = 48
W = 48
STRIDE = 16
A = 9
C_IN = 256
N_ANCH = H * W * A
ROWS = N_ANCH // 128
C = 6144
CROWS = C // 128
CPAD = C + 128
PRE_NMS = 6000
POST_NMS = 1000
NMS_THRESH = 0.7
MIN_SIZE = 1e-3
BBOX_CLIP = float(np.log(1000.0 / 16.0))
NEG_INF = float("-inf")

N_SUB = 16
SLOTS_PER_W = C // N_SUB


def _conv_heads_kernel(x_ref, w9_ref, bconv_ref, wh_ref, bh_ref, out_ref):
    acc = jnp.zeros((H * W, C_IN), dtype=jnp.float32)
    for j in range(9):
        dh, dw = j // 3, j % 3
        xs = x_ref[dh:dh + H, dw:dw + W, :].reshape(H * W, C_IN)
        acc = acc + jnp.dot(xs, w9_ref[j], preferred_element_type=jnp.float32)
    t = jnp.maximum(acc + bconv_ref[...], 0.0)
    out_ref[...] = jnp.dot(t, wh_ref[...],
                           preferred_element_type=jnp.float32) + bh_ref[...]


def _decode_rank_kernel(s_ref, dx_ref, dy_ref, dw_ref, dh_ref,
                        aw_ref, ah_ref, acx_ref, acy_ref,
                        x1_ref, y1_ref, x2_ref, y2_ref, sc_ref, dst_ref,
                        *, img_w, img_h):
    S = s_ref[...]
    aw = aw_ref[...]
    ah = ah_ref[...]
    dwc = jnp.minimum(dw_ref[...], BBOX_CLIP)
    dhc = jnp.minimum(dh_ref[...], BBOX_CLIP)
    pcx = dx_ref[...] * aw + acx_ref[...]
    pcy = dy_ref[...] * ah + acy_ref[...]
    pw = jnp.exp(dwc) * aw
    ph = jnp.exp(dhc) * ah
    X1 = jnp.clip(pcx - 0.5 * pw, 0.0, img_w)
    Y1 = jnp.clip(pcy - 0.5 * ph, 0.0, img_h)
    X2 = jnp.clip(pcx + 0.5 * pw, 0.0, img_w)
    Y2 = jnp.clip(pcy + 0.5 * ph, 0.0, img_h)
    valid = jnp.logical_and(X2 - X1 >= MIN_SIZE, Y2 - Y1 >= MIN_SIZE)

    b = jax.lax.bitcast_convert_type(S, jnp.int32)
    key = b ^ ((b >> 31) & jnp.int32(0x7FFFFFFF))
    kmin = jnp.min(key) - 1
    kmax = jnp.max(key)

    def _bs_val(_, st):
        lo, hi = st
        mid = (lo & hi) + ((lo ^ hi) >> 1)
        g = jnp.sum(jnp.where(key > mid, 1, 0).astype(jnp.int32))
        take_lo = g >= PRE_NMS
        return (jnp.where(take_lo, mid, lo), jnp.where(take_lo, hi, mid))

    _, thr = jax.lax.fori_loop(0, 33, _bs_val, (kmin, kmax))
    g_cnt = jnp.sum(jnp.where(key > thr, 1, 0).astype(jnp.int32))
    eq = key == thr

    rows_i = jax.lax.broadcasted_iota(jnp.int32, (ROWS, 128), 0)
    cols_i = jax.lax.broadcasted_iota(jnp.int32, (ROWS, 128), 1)
    iota = rows_i * 128 + cols_i

    def _bs_idx(_, st):
        lo, hi = st
        mid = (lo + hi) // 2
        cnt = g_cnt + jnp.sum(
            jnp.where(jnp.logical_and(eq, iota <= mid), 1, 0).astype(jnp.int32))
        ok = cnt >= PRE_NMS
        return (jnp.where(ok, lo, mid), jnp.where(ok, mid, hi))

    _, cutoff = jax.lax.fori_loop(0, 16, _bs_idx,
                                  (jnp.int32(-1), jnp.int32(N_ANCH - 1)))
    sel = jnp.logical_or(key > thr, jnp.logical_and(eq, iota <= cutoff))
    selv = jnp.where(jnp.logical_and(sel, valid), 1.0, 0.0).astype(jnp.float32)

    u_rows = jax.lax.broadcasted_iota(jnp.int32, (128, 128), 0)
    u_cols = jax.lax.broadcasted_iota(jnp.int32, (128, 128), 1)
    U = jnp.where(u_rows <= u_cols, 1.0, 0.0).astype(jnp.float32)
    lane_pref = jnp.dot(selv, U, preferred_element_type=jnp.float32)
    rowsum = lane_pref[:, 127:128]
    m_rows = jax.lax.broadcasted_iota(jnp.int32, (ROWS, ROWS), 0)
    m_cols = jax.lax.broadcasted_iota(jnp.int32, (ROWS, ROWS), 1)
    Mstrict = jnp.where(m_cols < m_rows, 1.0, 0.0).astype(jnp.float32)
    rowexcl = jnp.dot(Mstrict, rowsum, preferred_element_type=jnp.float32)
    rank = rowexcl + lane_pref - 1.0
    dst = jnp.where(selv > 0.0, rank.astype(jnp.int32), jnp.int32(C))

    x1_ref[...] = X1
    y1_ref[...] = Y1
    x2_ref[...] = X2
    y2_ref[...] = Y2
    sc_ref[...] = jax.nn.sigmoid(S)
    dst_ref[...] = dst


def _sc_compact_kernel(dst_hbm, table_hbm, rows_hbm, flag_hbm, srcidx_hbm,
                       dstv, locv, sidxv, flagv, idxs, rowsv, sem):
    c_id = lax.axis_index("c")
    s_id = lax.axis_index("s")

    @pl.when(jnp.logical_and(c_id == 0, s_id == 0))
    def _scatter():
        pltpu.sync_copy(dst_hbm, dstv)
        zz = jnp.zeros((16,), jnp.int32)

        def zb(i, carry):
            locv[pl.ds(i * 16, 16)] = zz
            return carry

        lax.fori_loop(0, CPAD // 16, zb, 0)
        ii = lax.iota(jnp.int32, 16)

        def sb(i, carry):
            d = dstv[pl.ds(i * 16, 16)]
            sel16 = d < C
            d2 = jnp.where(sel16, d, C + ii)
            src = ii + i * 16 + 1
            plsc.store_scatter(locv, [d2], src, mask=sel16)
            return carry

        lax.fori_loop(0, N_ANCH // 16, sb, 0)

        def rb(i, acc):
            return acc + jnp.sum(locv[pl.ds(i * 16, 16)])

        chk = lax.fori_loop(0, CPAD // 16, rb, jnp.int32(0))
        locv[pl.ds(C + 16, 16)] = jnp.zeros((16,), jnp.int32) + chk * 0
        pltpu.sync_copy(locv, srcidx_hbm)

    plsc.subcore_barrier()

    @pl.when(c_id == 0)
    def _gather():
        base = s_id * SLOTS_PER_W
        pltpu.sync_copy(srcidx_hbm.at[pl.ds(base, SLOTS_PER_W)], sidxv)

        def gb(k, carry):
            s16 = sidxv[pl.ds(k * 16, 16)]
            flagv[pl.ds(k * 16, 16)] = jnp.where(s16 != 0, 1, 0).astype(jnp.int32)
            idxs[k // 8, pl.ds((k % 8) * 16, 16)] = jnp.maximum(s16 - 1, 0)
            return carry

        lax.fori_loop(0, SLOTS_PER_W // 16, gb, 0)

        def rb2(k, acc):
            return (acc + jnp.sum(idxs[k // 8, pl.ds((k % 8) * 16, 16)])
                    + jnp.sum(flagv[pl.ds(k * 16, 16)]))

        chk2 = lax.fori_loop(0, SLOTS_PER_W // 16, rb2, jnp.int32(0))
        flagv[pl.ds(0, 16)] = flagv[pl.ds(0, 16)] + chk2 * 0
        pltpu.sync_copy(flagv, flag_hbm.at[pl.ds(base, SLOTS_PER_W)])
        for ch in range(SLOTS_PER_W // 128):
            pltpu.async_copy(table_hbm.at[idxs.at[ch]], rowsv, sem).wait()
            pltpu.sync_copy(rowsv, rows_hbm.at[pl.ds(base + ch * 128, 128)])


def _nms_kernel(s_ref, f_ref, x1_ref, y1_ref, x2_ref, y2_ref,
                ox1_ref, oy1_ref, ox2_ref, oy2_ref, osc_ref,
                sx1_ref, sy1_ref, sx2_ref, sy2_ref):
    X1 = x1_ref[...]
    Y1 = y1_ref[...]
    X2 = x2_ref[...]
    Y2 = y2_ref[...]
    areas = (X2 - X1) * (Y2 - Y1)
    neg = jnp.float32(NEG_INF)
    s0 = jnp.where(f_ref[...] != 0, s_ref[...], neg)
    sx1_ref[...] = X1
    sy1_ref[...] = Y1
    sx2_ref[...] = X2
    sy2_ref[...] = Y2
    rows_i = jax.lax.broadcasted_iota(jnp.int32, (CROWS, 128), 0)
    cols_i = jax.lax.broadcasted_iota(jnp.int32, (CROWS, 128), 1)
    iota = rows_i * 128 + cols_i
    lane = jax.lax.broadcasted_iota(jnp.int32, (1, 128), 1)
    big = jnp.int32(1 << 30)

    def _nms_body(i, s):
        m = jnp.max(s)
        validm = m > neg
        idx = jnp.min(jnp.where(s == m, iota, big))
        r = idx // 128
        oh = (lane == (idx - r * 128)).astype(jnp.float32)
        bx1 = jnp.sum(sx1_ref[pl.ds(r, 1), :] * oh)
        by1 = jnp.sum(sy1_ref[pl.ds(r, 1), :] * oh)
        bx2 = jnp.sum(sx2_ref[pl.ds(r, 1), :] * oh)
        by2 = jnp.sum(sy2_ref[pl.ds(r, 1), :] * oh)
        a1 = (bx2 - bx1) * (by2 - by1)
        iw = jnp.maximum(jnp.minimum(bx2, X2) - jnp.maximum(bx1, X1), 0.0)
        ih = jnp.maximum(jnp.minimum(by2, Y2) - jnp.maximum(by1, Y1), 0.0)
        inter = iw * ih
        s2 = jnp.where(inter > NMS_THRESH * (a1 + areas - inter + 1e-9), neg, s)
        zrow = jnp.zeros((1, 128), dtype=jnp.float32)
        fv = jnp.where(validm, 1.0, 0.0)
        ox1_ref[pl.ds(i, 1), :] = zrow + bx1 * fv
        oy1_ref[pl.ds(i, 1), :] = zrow + by1 * fv
        ox2_ref[pl.ds(i, 1), :] = zrow + bx2 * fv
        oy2_ref[pl.ds(i, 1), :] = zrow + by2 * fv
        osc_ref[pl.ds(i, 1), :] = zrow + jnp.where(validm, m, 0.0)
        return s2

    jax.lax.fori_loop(0, POST_NMS, _nms_body, s0)


def _anchor_planes():
    sizes = np.array([32.0, 64.0, 128.0], dtype=np.float32)
    ratios = np.array([0.5, 1.0, 2.0], dtype=np.float32)
    h_r = np.sqrt(ratios)
    w_r = 1.0 / h_r
    ws = (w_r[:, None] * sizes[None, :]).reshape(-1)
    hs = (h_r[:, None] * sizes[None, :]).reshape(-1)
    cell = np.round(np.stack([-ws, -hs, ws, hs], axis=1) / 2.0).astype(np.float32)
    sx = np.arange(W, dtype=np.float32) * STRIDE
    sy = np.arange(H, dtype=np.float32) * STRIDE
    gy, gx = np.meshgrid(sy, sx, indexing="ij")
    shifts = np.stack([gx.reshape(-1), gy.reshape(-1),
                       gx.reshape(-1), gy.reshape(-1)], axis=1)
    anch = (shifts[:, None, :] + cell[None, :, :]).reshape(-1, 4)
    widths = anch[:, 2] - anch[:, 0]
    heights = anch[:, 3] - anch[:, 1]
    ctr_x = anch[:, 0] + 0.5 * widths
    ctr_y = anch[:, 1] + 0.5 * heights
    shape = (ROWS, 128)
    return (jnp.asarray(widths.reshape(shape)),
            jnp.asarray(heights.reshape(shape)),
            jnp.asarray(ctr_x.reshape(shape)),
            jnp.asarray(ctr_y.reshape(shape)))


def kernel(images, features, w_conv, b_conv, w_obj, b_obj, w_box, b_box):
    img_h = float(images.shape[2])
    img_w = float(images.shape[3])

    x = jnp.transpose(features[0], (1, 2, 0))
    xpad = jnp.pad(x, ((1, 1), (1, 1), (0, 0)))
    w9 = jnp.transpose(w_conv, (2, 3, 1, 0)).reshape(9, C_IN, C_IN)
    wobj = jnp.transpose(w_obj[:, :, 0, 0], (1, 0))
    wbox = jnp.transpose(w_box[:, :, 0, 0], (1, 0))
    wh = jnp.concatenate(
        [wobj, wbox, jnp.zeros((C_IN, 128 - A - 4 * A), jnp.float32)], axis=1)
    bh = jnp.concatenate(
        [b_obj, b_box, jnp.zeros((128 - A - 4 * A,), jnp.float32)])[None, :]

    heads = pl.pallas_call(
        _conv_heads_kernel,
        out_shape=jax.ShapeDtypeStruct((H * W, 128), jnp.float32),
    )(xpad, w9, b_conv[None, :], wh, bh)

    obj = heads[:, :A].reshape(ROWS, 128)
    deltas = heads[:, A:A + 4 * A].reshape(H * W, A, 4)
    dxp = deltas[:, :, 0].reshape(ROWS, 128)
    dyp = deltas[:, :, 1].reshape(ROWS, 128)
    dwp = deltas[:, :, 2].reshape(ROWS, 128)
    dhp = deltas[:, :, 3].reshape(ROWS, 128)
    aw, ah, acx, acy = _anchor_planes()

    plane = jax.ShapeDtypeStruct((ROWS, 128), jnp.float32)
    X1, Y1, X2, Y2, SC, DST = pl.pallas_call(
        functools.partial(_decode_rank_kernel, img_w=img_w, img_h=img_h),
        out_shape=[plane, plane, plane, plane, plane,
                   jax.ShapeDtypeStruct((ROWS, 128), jnp.int32)],
    )(obj, dxp, dyp, dwp, dhp, aw, ah, acx, acy)

    table = jnp.stack([X1.reshape(-1), Y1.reshape(-1), X2.reshape(-1),
                       Y2.reshape(-1), SC.reshape(-1)], axis=1)
    table = jnp.concatenate(
        [table, jnp.zeros((N_ANCH, 123), jnp.float32)], axis=1)

    mesh = plsc.VectorSubcoreMesh(core_axis_name="c", subcore_axis_name="s")
    sc_fn = functools.partial(
        pl.kernel,
        mesh=mesh,
        out_type=[jax.ShapeDtypeStruct((C, 128), jnp.float32),
                  jax.ShapeDtypeStruct((C,), jnp.int32),
                  jax.ShapeDtypeStruct((CPAD,), jnp.int32)],
        scratch_types=[pltpu.VMEM((N_ANCH,), jnp.int32),
                       pltpu.VMEM((CPAD,), jnp.int32),
                       pltpu.VMEM((SLOTS_PER_W,), jnp.int32),
                       pltpu.VMEM((SLOTS_PER_W,), jnp.int32),
                       pltpu.VMEM((SLOTS_PER_W // 128, 128), jnp.int32),
                       pltpu.VMEM((128, 128), jnp.float32),
                       pltpu.SemaphoreType.DMA],
        compiler_params=pltpu.CompilerParams(needs_layout_passes=False),
    )(_sc_compact_kernel)
    rows, flag, _ = sc_fn(DST.reshape(-1), table)

    scp = rows[:, 4].reshape(CROWS, 128)
    fp = flag.reshape(CROWS, 128)
    x1c = rows[:, 0].reshape(CROWS, 128)
    y1c = rows[:, 1].reshape(CROWS, 128)
    x2c = rows[:, 2].reshape(CROWS, 128)
    y2c = rows[:, 3].reshape(CROWS, 128)

    out_shapes = [jax.ShapeDtypeStruct((POST_NMS, 128), jnp.float32)] * 5
    ox1, oy1, ox2, oy2, osc = pl.pallas_call(
        _nms_kernel,
        out_shape=out_shapes,
        scratch_shapes=[pltpu.VMEM((CROWS, 128), jnp.float32)] * 4,
    )(scp, fp, x1c, y1c, x2c, y2c)

    out_boxes = jnp.stack(
        [ox1[:, 0], oy1[:, 0], ox2[:, 0], oy2[:, 0]], axis=1)
    out_scores = osc[:, 0]
    return out_boxes, out_scores

# --- scband reference (transcript-rebuilt; emitter-appended) ---
"""Pipeline reference for scband-quantized-region-proposal-network-24678882083328 (READ-ONLY COPY).

The authoritative reference and input builder live on the scoring server;
editing this copy changes nothing except your own understanding.
"""

import jax, jax.numpy as jnp
import numpy as np

H = 48
W = 48
STRIDE = 16
A = 9
C_IN = 256
PRE_NMS = 6000
POST_NMS = 1000
NMS_THRESH = 0.7
MIN_SIZE = 1e-3
BBOX_CLIP = float(np.log(1000.0 / 16.0))


def _cell_anchors():
    sizes = jnp.array([32.0, 64.0, 128.0], dtype=jnp.float32)
    ratios = jnp.array([0.5, 1.0, 2.0], dtype=jnp.float32)
    h_r = jnp.sqrt(ratios)
    w_r = 1.0 / h_r
    ws = (w_r[:, None] * sizes[None, :]).reshape(-1)
    hs = (h_r[:, None] * sizes[None, :]).reshape(-1)
    return jnp.round(jnp.stack([-ws, -hs, ws, hs], axis=1) / 2.0)


def _anchors():
    cell = _cell_anchors()
    sx = jnp.arange(W, dtype=jnp.float32) * STRIDE
    sy = jnp.arange(H, dtype=jnp.float32) * STRIDE
    gy, gx = jnp.meshgrid(sy, sx, indexing='ij')
    shifts = jnp.stack([gx.reshape(-1), gy.reshape(-1), gx.reshape(-1), gy.reshape(-1)], axis=1)
    return (shifts[:, None, :] + cell[None, :, :]).reshape(-1, 4)


def _conv(x, w, b, pad):
    y = jax.lax.conv_general_dilated(x, w, (1, 1), [(pad, pad), (pad, pad)],
                                     dimension_numbers=('NCHW', 'OIHW', 'NCHW'))
    return y + b[None, :, None, None]


def _decode(deltas, anchors):
    widths = anchors[:, 2] - anchors[:, 0]
    heights = anchors[:, 3] - anchors[:, 1]
    ctr_x = anchors[:, 0] + 0.5 * widths
    ctr_y = anchors[:, 1] + 0.5 * heights
    dx, dy = deltas[:, 0], deltas[:, 1]
    dw = jnp.minimum(deltas[:, 2], BBOX_CLIP)
    dh = jnp.minimum(deltas[:, 3], BBOX_CLIP)
    pcx = dx * widths + ctr_x
    pcy = dy * heights + ctr_y
    pw = jnp.exp(dw) * widths
    ph = jnp.exp(dh) * heights
    return jnp.stack([pcx - 0.5 * pw, pcy - 0.5 * ph, pcx + 0.5 * pw, pcy + 0.5 * ph], axis=1)


def _iou_one_vs_all(box, boxes):
    x1 = jnp.maximum(box[0], boxes[:, 0])
    y1 = jnp.maximum(box[1], boxes[:, 1])
    x2 = jnp.minimum(box[2], boxes[:, 2])
    y2 = jnp.minimum(box[3], boxes[:, 3])
    inter = jnp.maximum(x2 - x1, 0.0) * jnp.maximum(y2 - y1, 0.0)
    a1 = (box[2] - box[0]) * (box[3] - box[1])
    a2 = (boxes[:, 2] - boxes[:, 0]) * (boxes[:, 3] - boxes[:, 1])
    return inter / (a1 + a2 - inter + 1e-9)


def _nms(boxes, scores, iou_thresh, max_out):
    def body(i, state):
        s, keep = state
        idx = jnp.argmax(s)
        valid = s[idx] > -jnp.inf
        keep = keep.at[i].set(jnp.where(valid, idx.astype(jnp.int32), -1))
        ious = _iou_one_vs_all(boxes[idx], boxes)
        s = jnp.where(jnp.logical_and(valid, ious > iou_thresh), -jnp.inf, s)
        s = s.at[idx].set(-jnp.inf)
        return (s, keep)
    keep0 = -jnp.ones((max_out,), dtype=jnp.int32)
    _, keep = jax.lax.fori_loop(0, max_out, body, (scores, keep0))
    return keep


def _rpn_forward(images, features, w_conv, b_conv, w_obj, b_obj, w_box, b_box):
    t = jax.nn.relu(_conv(features, w_conv, b_conv, 1))
    obj = _conv(t, w_obj, b_obj, 0)
    deltas = _conv(t, w_box, b_box, 0)
    n = obj.shape[0]
    obj = obj.reshape(n, A, 1, H, W).transpose(0, 3, 4, 1, 2).reshape(-1)
    deltas = deltas.reshape(n, A, 4, H, W).transpose(0, 3, 4, 1, 2).reshape(-1, 4)
    anchors = _anchors()
    proposals = _decode(deltas, anchors)
    top_obj, top_idx = jax.lax.top_k(obj, PRE_NMS)
    boxes = proposals[top_idx]
    scores = jax.nn.sigmoid(top_obj)
    img_h = images.shape[2]
    img_w = images.shape[3]
    boxes = jnp.stack([jnp.clip(boxes[:, 0], 0.0, float(img_w)),
                       jnp.clip(boxes[:, 1], 0.0, float(img_h)),
                       jnp.clip(boxes[:, 2], 0.0, float(img_w)),
                       jnp.clip(boxes[:, 3], 0.0, float(img_h))], axis=1)
    ws = boxes[:, 2] - boxes[:, 0]
    hs = boxes[:, 3] - boxes[:, 1]
    valid = jnp.logical_and(ws >= MIN_SIZE, hs >= MIN_SIZE)
    scores = jnp.where(valid, scores, -jnp.inf)
    keep = _nms(boxes, scores, NMS_THRESH, POST_NMS)
    kv = keep >= 0
    ki = jnp.maximum(keep, 0)
    out_boxes = jnp.where(kv[:, None], boxes[ki], 0.0)
    out_scores = jnp.where(kv, scores[ki], 0.0)
    return out_boxes, out_scores


def setup_inputs(seed: int = 0) -> dict:
    key = jax.random.key(seed)
    ks = jax.random.split(key, 8)
    images = jax.random.uniform(ks[0], (1, 3, 768, 768), dtype=jnp.float32)
    features = jax.random.normal(ks[1], (1, C_IN, H, W), dtype=jnp.float32)
    w_conv = jax.random.normal(ks[2], (C_IN, C_IN, 3, 3), dtype=jnp.float32) * 0.02
    b_conv = jnp.zeros((C_IN,), dtype=jnp.float32)
    w_obj = jax.random.normal(ks[3], (A, C_IN, 1, 1), dtype=jnp.float32) * 0.02
    b_obj = jnp.zeros((A,), dtype=jnp.float32)
    w_box = jax.random.normal(ks[4], (4 * A, C_IN, 1, 1), dtype=jnp.float32) * 0.02
    b_box = jnp.zeros((4 * A,), dtype=jnp.float32)
    return {'images': images, 'features': features, 'w_conv': w_conv, 'b_conv': b_conv,
            'w_obj': w_obj, 'b_obj': b_obj, 'w_box': w_box, 'b_box': b_box}


def reference(images, features, w_conv, b_conv, w_obj, b_obj, w_box, b_box):
    boxes, scores = _rpn_forward(images, features, w_conv, b_conv, w_obj, b_obj, w_box, b_box)
    return boxes, scores

if __name__ == "__main__":
    import jax
    _d = setup_inputs()
    print(jax.jit(kernel)(*tuple(_d.values())))

</pallas_src>

<mosaic_0001>
#map = affine_map<(d0, d1) -> (0)>
#map1 = affine_map<(d0, d1) -> (0, 0)>
module attributes {stable_mosaic.version = 14 : i64} {
  func.func @_sc_compact_kernel(%arg0: i32, %arg1: i32, %arg2: memref<20736xi32, #tpu.memory_space<hbm>>, %arg3: memref<20736x128xf32, #tpu.memory_space<hbm>>, %arg4: memref<6144x128xf32, #tpu.memory_space<hbm>>, %arg5: memref<6144xi32, #tpu.memory_space<hbm>>, %arg6: memref<6272xi32, #tpu.memory_space<hbm>>, %arg7: memref<20736xi32, #tpu.memory_space<vmem>>, %arg8: memref<6272xi32, #tpu.memory_space<vmem>>, %arg9: memref<384xi32, #tpu.memory_space<vmem>>, %arg10: memref<384xi32, #tpu.memory_space<vmem>>, %arg11: memref<3x128xi32, #tpu.memory_space<vmem>>, %arg12: memref<128x128xf32, #tpu.memory_space<vmem>>, %arg13: memref<!tpu.dma_semaphore, #tpu.memory_space<semaphore_mem>>) attributes {dimension_semantics = [#tpu.dimension_semantics<core_parallel>, #tpu.dimension_semantics<subcore_parallel>], iteration_bounds = array<i64: 2, 16>, scalar_prefetch = 0 : i64, scratch_operands = 7 : i64, tpu.core_type = #tpu.core_type<sc_vector_subcore>, window_params = [{transform_indices = #map}, {transform_indices = #map1}, {transform_indices = #map1}, {transform_indices = #map}, {transform_indices = #map}]} {
    %eq3A = arith.constant 0 : i32
    %eq3A_0 = arith.cmpi eq, %arg0, %eq3A : i32
    %eq3A_1 = arith.constant 0 : i32
    %eq3A_2 = arith.cmpi eq, %arg1, %eq3A_1 : i32
    %and3A = arith.andi %eq3A_0, %eq3A_2 : i1
    %convert_element_type3A = arith.extui %and3A : i1 to i32
    %cond3A = arith.constant 0 : i32
    %cond3A_3 = arith.cmpi ne, %convert_element_type3A, %cond3A : i32
    scf.if %cond3A_3 {
      "tpu.region"() ({
        %run_scoped3A = tpu.sem_alloc : memref<!tpu.dma_semaphore, #tpu.memory_space<semaphore_mem>>
        tpu.enqueue_dma source(%arg2 : memref<20736xi32, #tpu.memory_space<hbm>>) target(%arg7 : memref<20736xi32, #tpu.memory_space<vmem>>) target_semaphore(%run_scoped3A : memref<!tpu.dma_semaphore, #tpu.memory_space<semaphore_mem>>)
        tpu.wait_dma2 semaphore(%run_scoped3A : memref<!tpu.dma_semaphore, #tpu.memory_space<semaphore_mem>>) src(%arg2 : memref<20736xi32, #tpu.memory_space<hbm>>) dst(%arg7 : memref<20736xi32, #tpu.memory_space<vmem>>)
        tpu.yield
      }) : () -> ()
      %broadcast_in_dim3A = arith.constant 0 : i32
      %broadcast_in_dim3A_9 = vector.broadcast %broadcast_in_dim3A : i32 to vector<16xi32>
      %scan3A = arith.constant 0 : i32
      %scan3A_10 = arith.constant 0 : i32
      %scan3A_11 = arith.constant 392 : i32
      %scan3A_12 = arith.addi %scan3A_10, %scan3A_11 : i32
      %scan3A_13 = arith.constant 1 : i32
      scf.for %scan3A_33 = %scan3A_10 to %scan3A_12 step %scan3A_13  : i32 {
        %mul3A_34 = arith.constant 16 : i32
        %mul3A_35 = arith.muli %scan3A_33, %mul3A_34 : i32
        %swap3A_36 = arith.index_cast %mul3A_35 : i32 to index
        %swap3A_37 = tpu.vector_load %arg8[%swap3A_36] {strides = array<i32>} : memref<6272xi32, #tpu.memory_space<vmem>>, vector<16xi32>,
        tpu.vector_store %arg8[%swap3A_36], %broadcast_in_dim3A_9 {strides = array<i32>} : memref<6272xi32, #tpu.memory_space<vmem>>, vector<16xi32>,
      }
      %scan3A_14 = arith.constant 392 : i32
      %iota3A = tpu.iota {dimensions = array<i32: 0>} : vector<16xi32>
      %scan3A_15 = arith.constant 0 : i32
      %scan3A_16 = arith.constant 0 : i32
      %scan3A_17 = arith.constant 1296 : i32
      %scan3A_18 = arith.addi %scan3A_16, %scan3A_17 : i32
      %scan3A_19 = arith.constant 1 : i32
      scf.for %scan3A_33 = %scan3A_16 to %scan3A_18 step %scan3A_19  : i32 {
        %mul3A_34 = arith.constant 16 : i32
        %mul3A_35 = arith.muli %scan3A_33, %mul3A_34 : i32
        %get3A = arith.index_cast %mul3A_35 : i32 to index
        %get3A_36 = tpu.vector_load %arg7[%get3A] {strides = array<i32>} : memref<20736xi32, #tpu.memory_space<vmem>>, vector<16xi32>,
        %lt3A = arith.constant 6144 : i32
        %lt3A_37 = vector.broadcast %lt3A : i32 to vector<16xi32>
        %lt3A_38 = arith.cmpi slt, %get3A_36, %lt3A_37 : vector<16xi32>
        %add3A_39 = arith.constant 6144 : i32
        %add3A_40 = vector.broadcast %add3A_39 : i32 to vector<16xi32>
        %add3A_41 = arith.addi %add3A_40, %iota3A : vector<16xi32>
        %select_n3A = arith.select %lt3A_38, %get3A_36, %add3A_41 : vector<16xi1>, vector<16xi32>
        %mul3A_42 = arith.constant 16 : i32
        %mul3A_43 = arith.muli %scan3A_33, %mul3A_42 : i32
        %add3A_44 = vector.broadcast %mul3A_43 : i32 to vector<16xi32>
        %add3A_45 = arith.addi %iota3A, %add3A_44 : vector<16xi32>
        %add3A_46 = arith.constant 1 : i32
        %add3A_47 = vector.broadcast %add3A_46 : i32 to vector<16xi32>
        %add3A_48 = arith.addi %add3A_45, %add3A_47 : vector<16xi32>
        tpu.vector_store_idx %arg8[%select_n3A], %add3A_48 masked %lt3A_38 : memref<6272xi32, #tpu.memory_space<vmem>>[vector<16xi32>], vector<16xi32>, vector<16xi1>
      }
      %scan3A_20 = arith.constant 1296 : i32
      %scan3A_21 = arith.constant 0 : i32
      %scan3A_22 = arith.constant 0 : i32
      %scan3A_23 = arith.constant 392 : i32
      %scan3A_24 = arith.addi %scan3A_22, %scan3A_23 : i32
      %scan3A_25 = arith.constant 1 : i32
      %scan3A_26 = scf.for %scan3A_33 = %scan3A_22 to %scan3A_24 step %scan3A_25 iter_args(%scan3A_34 = %scan3A_21) -> (i32)  : i32 {
        %mul3A_35 = arith.constant 16 : i32
        %mul3A_36 = arith.muli %scan3A_33, %mul3A_35 : i32
        %get3A = arith.index_cast %mul3A_36 : i32 to index
        %get3A_37 = tpu.vector_load %arg8[%get3A] {strides = array<i32>} : memref<6272xi32, #tpu.memory_space<vmem>>, vector<16xi32>,
        %reduce_sum3A = arith.constant true
        %reduce_sum3A_38 = vector.broadcast %reduce_sum3A : i1 to vector<16xi1>
        %reduce_sum3A_39 = tpu.scan <sum>, %get3A_37 masked %reduce_sum3A_38 : vector<16xi32>, vector<16xi1> -> vector<16xi32>
        %reduce_sum3A_40 = vector.extract %reduce_sum3A_39[15] : i32 from vector<16xi32>
        %add3A_41 = arith.addi %scan3A_34, %reduce_sum3A_40 : i32
        scf.yield %add3A_41 : i32
      }
      %scan3A_27 = arith.constant 392 : i32
      %broadcast_in_dim3A_28 = arith.constant 0 : i32
      %broadcast_in_dim3A_29 = vector.broadcast %broadcast_in_dim3A_28 : i32 to vector<16xi32>
      %mul3A = arith.constant 0 : i32
      %mul3A_30 = arith.muli %scan3A_26, %mul3A : i32
      %add3A = vector.broadcast %mul3A_30 : i32 to vector<16xi32>
      %add3A_31 = arith.addi %broadcast_in_dim3A_29, %add3A : vector<16xi32>
      %swap3A = arith.constant 6160 : index
      %swap3A_32 = tpu.vector_load %arg8[%swap3A] {strides = array<i32>} : memref<6272xi32, #tpu.memory_space<vmem>>, vector<16xi32>,
      tpu.vector_store %arg8[%swap3A], %add3A_31 {strides = array<i32>} : memref<6272xi32, #tpu.memory_space<vmem>>, vector<16xi32>,
      "tpu.region"() ({
        %run_scoped3A = tpu.sem_alloc : memref<!tpu.dma_semaphore, #tpu.memory_space<semaphore_mem>>
        tpu.enqueue_dma source(%arg8 : memref<6272xi32, #tpu.memory_space<vmem>>) target(%arg6 : memref<6272xi32, #tpu.memory_space<hbm>>) target_semaphore(%run_scoped3A : memref<!tpu.dma_semaphore, #tpu.memory_space<semaphore_mem>>)
        tpu.wait_dma2 semaphore(%run_scoped3A : memref<!tpu.dma_semaphore, #tpu.memory_space<semaphore_mem>>) src(%arg8 : memref<6272xi32, #tpu.memory_space<vmem>>) dst(%arg6 : memref<6272xi32, #tpu.memory_space<hbm>>)
        tpu.yield
      }) : () -> ()
    } else {
    }
    %barrier3A = arith.constant 0 : index
    tpu.barrier barrier_id(%barrier3A)
    %eq3A_4 = arith.constant 0 : i32
    %eq3A_5 = arith.cmpi eq, %arg0, %eq3A_4 : i32
    %convert_element_type3A_6 = arith.extui %eq3A_5 : i1 to i32
    %cond3A_7 = arith.constant 0 : i32
    %cond3A_8 = arith.cmpi ne, %convert_element_type3A_6, %cond3A_7 : i32
    scf.if %cond3A_8 {
      %mul3A = arith.constant 384 : i32
      %mul3A_9 = arith.muli %arg1, %mul3A : i32
      "tpu.region"() ({
        %run_scoped3A = tpu.sem_alloc : memref<!tpu.dma_semaphore, #tpu.memory_space<semaphore_mem>>
        %dma_start3A_73 = tpu.memref_slice %arg6[%mul3A_9] : memref<6272xi32, #tpu.memory_space<hbm>> -> memref<384xi32, #tpu.memory_space<hbm>>
        %dma_start3A_74 = tpu.memref_slice %arg6[%mul3A_9] : memref<6272xi32, #tpu.memory_space<hbm>> -> memref<384xi32, #tpu.memory_space<hbm>>
        tpu.enqueue_dma source(%dma_start3A_74 : memref<384xi32, #tpu.memory_space<hbm>>) target(%arg9 : memref<384xi32, #tpu.memory_space<vmem>>) target_semaphore(%run_scoped3A : memref<!tpu.dma_semaphore, #tpu.memory_space<semaphore_mem>>)
        %dma_wait3A_75 = tpu.memref_slice %arg6[%mul3A_9] : memref<6272xi32, #tpu.memory_space<hbm>> -> memref<384xi32, #tpu.memory_space<hbm>>
        %dma_wait3A_76 = tpu.memref_slice %arg6[%mul3A_9] : memref<6272xi32, #tpu.memory_space<hbm>> -> memref<384xi32, #tpu.memory_space<hbm>>
        tpu.wait_dma2 semaphore(%run_scoped3A : memref<!tpu.dma_semaphore, #tpu.memory_space<semaphore_mem>>) src(%dma_wait3A_76 : memref<384xi32, #tpu.memory_space<hbm>>) dst(%arg9 : memref<384xi32, #tpu.memory_space<vmem>>)
        tpu.yield
      }) : () -> ()
      %scan3A = arith.constant 0 : i32
      %scan3A_10 = arith.constant 0 : i32
      %scan3A_11 = arith.constant 24 : i32
      %scan3A_12 = arith.addi %scan3A_10, %scan3A_11 : i32
      %scan3A_13 = arith.constant 1 : i32
      scf.for %scan3A_73 = %scan3A_10 to %scan3A_12 step %scan3A_13  : i32 {
        %mul3A_74 = arith.constant 16 : i32
        %mul3A_75 = arith.muli %scan3A_73, %mul3A_74 : i32
        %get3A_76 = arith.index_cast %mul3A_75 : i32 to index
        %get3A_77 = tpu.vector_load %arg9[%get3A_76] {strides = array<i32>} : memref<384xi32, #tpu.memory_space<vmem>>, vector<16xi32>,
        %ne3A = arith.constant 0 : i32
        %ne3A_78 = vector.broadcast %ne3A : i32 to vector<16xi32>
        %ne3A_79 = arith.cmpi ne, %get3A_77, %ne3A_78 : vector<16xi32>
        %jit3A = arith.constant 1 : i32
        %jit3A_80 = arith.constant 0 : i32
        %broadcast_in_dim3A = vector.broadcast %jit3A : i32 to vector<16xi32>
        %broadcast_in_dim3A_81 = vector.broadcast %jit3A_80 : i32 to vector<16xi32>
        %select_n3A = arith.select %ne3A_79, %broadcast_in_dim3A, %broadcast_in_dim3A_81 : vector<16xi1>, vector<16xi32>
        %mul3A_82 = arith.constant 16 : i32
        %mul3A_83 = arith.muli %scan3A_73, %mul3A_82 : i32
        %swap3A_84 = arith.index_cast %mul3A_83 : i32 to index
        %swap3A_85 = tpu.vector_load %arg10[%swap3A_84] {strides = array<i32>} : memref<384xi32, #tpu.memory_space<vmem>>, vector<16xi32>,
        tpu.vector_store %arg10[%swap3A_84], %select_n3A {strides = array<i32>} : memref<384xi32, #tpu.memory_space<vmem>>, vector<16xi32>,
        %sub3A = arith.constant 1 : i32
        %sub3A_86 = vector.broadcast %sub3A : i32 to vector<16xi32>
        %sub3A_87 = arith.subi %get3A_77, %sub3A_86 : vector<16xi32>
        %max3A = arith.constant 0 : i32
        %max3A_88 = vector.broadcast %max3A : i32 to vector<16xi32>
        %max3A_89 = arith.maxsi %sub3A_87, %max3A_88 : vector<16xi32>
        %jit3A_90 = arith.constant 8 : i32
        %div3A = arith.divsi %scan3A_73, %jit3A_90 : i32
        %sign3A = arith.constant 0 : i32
        %sign3A_91 = arith.cmpi sgt, %scan3A_73, %sign3A : i32
        %sign3A_92 = arith.extui %sign3A_91 : i1 to i32
        %sign3A_93 = arith.constant 0 : i32
        %sign3A_94 = arith.cmpi slt, %scan3A_73, %sign3A_93 : i32
        %sign3A_95 = arith.extui %sign3A_94 : i1 to i32
        %sign3A_96 = arith.subi %sign3A_92, %sign3A_95 : i32
        %sign3A_97 = arith.constant 0 : i32
        %sign3A_98 = arith.cmpi sgt, %jit3A_90, %sign3A_97 : i32
        %sign3A_99 = arith.extui %sign3A_98 : i1 to i32
        %sign3A_100 = arith.constant 0 : i32
        %sign3A_101 = arith.cmpi slt, %jit3A_90, %sign3A_100 : i32
        %sign3A_102 = arith.extui %sign3A_101 : i1 to i32
        %sign3A_103 = arith.subi %sign3A_99, %sign3A_102 : i32
        %ne3A_104 = arith.cmpi ne, %sign3A_96, %sign3A_103 : i32
        %rem3A = arith.remsi %scan3A_73, %jit3A_90 : i32
        %ne3A_105 = arith.constant 0 : i32
        %ne3A_106 = arith.cmpi ne, %rem3A, %ne3A_105 : i32
        %and3A_107 = arith.andi %ne3A_104, %ne3A_106 : i1
        %sub3A_108 = arith.constant 1 : i32
        %sub3A_109 = arith.subi %div3A, %sub3A_108 : i32
        %select_n3A_110 = arith.select %and3A_107, %sub3A_109, %div3A : i32
        %jit3A_111 = arith.constant 8 : i32
        %eq3A_112 = arith.constant 0 : i32
        %eq3A_113 = arith.cmpi eq, %jit3A_111, %eq3A_112 : i32
        %jit3A_114 = arith.constant 1 : i32
        %select_n3A_115 = arith.select %eq3A_113, %jit3A_114, %jit3A_111 : i32
        %rem3A_116 = arith.remsi %scan3A_73, %select_n3A_115 : i32
        %ne3A_117 = arith.constant 0 : i32
        %ne3A_118 = arith.cmpi ne, %rem3A_116, %ne3A_117 : i32
        %lt3A = arith.constant 0 : i32
        %lt3A_119 = arith.cmpi slt, %rem3A_116, %lt3A : i32
        %lt3A_120 = arith.constant 0 : i32
        %lt3A_121 = arith.cmpi slt, %select_n3A_115, %lt3A_120 : i32
        %ne3A_122 = arith.xori %lt3A_119, %lt3A_121 : i1
        %and3A_123 = arith.andi %ne3A_122, %ne3A_118 : i1
        %add3A_124 = arith.addi %rem3A_116, %select_n3A_115 : i32
        %select_n3A_125 = arith.select %and3A_123, %add3A_124, %rem3A_116 : i32
        %mul3A_126 = arith.constant 16 : i32
        %mul3A_127 = arith.muli %select_n3A_125, %mul3A_126 : i32
        %swap3A_128 = arith.index_cast %select_n3A_110 : i32 to index
        %swap3A_129 = arith.index_cast %mul3A_127 : i32 to index
        %swap3A_130 = tpu.vector_load %arg11[%swap3A_128, %swap3A_129] {strides = array<i32>} : memref<3x128xi32, #tpu.memory_space<vmem>>, vector<16xi32>,
        tpu.vector_store %arg11[%swap3A_128, %swap3A_129], %max3A_89 {strides = array<i32>} : memref<3x128xi32, #tpu.memory_space<vmem>>, vector<16xi32>,
      }
      %scan3A_14 = arith.constant 24 : i32
      %scan3A_15 = arith.constant 0 : i32
      %scan3A_16 = arith.constant 0 : i32
      %scan3A_17 = arith.constant 24 : i32
      %scan3A_18 = arith.addi %scan3A_16, %scan3A_17 : i32
      %scan3A_19 = arith.constant 1 : i32
      %scan3A_20 = scf.for %scan3A_73 = %scan3A_16 to %scan3A_18 step %scan3A_19 iter_args(%scan3A_74 = %scan3A_15) -> (i32)  : i32 {
        %jit3A = arith.constant 8 : i32
        %div3A = arith.divsi %scan3A_73, %jit3A : i32
        %sign3A = arith.constant 0 : i32
        %sign3A_75 = arith.cmpi sgt, %scan3A_73, %sign3A : i32
        %sign3A_76 = arith.extui %sign3A_75 : i1 to i32
        %sign3A_77 = arith.constant 0 : i32
        %sign3A_78 = arith.cmpi slt, %scan3A_73, %sign3A_77 : i32
        %sign3A_79 = arith.extui %sign3A_78 : i1 to i32
        %sign3A_80 = arith.subi %sign3A_76, %sign3A_79 : i32
        %sign3A_81 = arith.constant 0 : i32
        %sign3A_82 = arith.cmpi sgt, %jit3A, %sign3A_81 : i32
        %sign3A_83 = arith.extui %sign3A_82 : i1 to i32
        %sign3A_84 = arith.constant 0 : i32
        %sign3A_85 = arith.cmpi slt, %jit3A, %sign3A_84 : i32
        %sign3A_86 = arith.extui %sign3A_85 : i1 to i32
        %sign3A_87 = arith.subi %sign3A_83, %sign3A_86 : i32
        %ne3A = arith.cmpi ne, %sign3A_80, %sign3A_87 : i32
        %rem3A = arith.remsi %scan3A_73, %jit3A : i32
        %ne3A_88 = arith.constant 0 : i32
        %ne3A_89 = arith.cmpi ne, %rem3A, %ne3A_88 : i32
        %and3A_90 = arith.andi %ne3A, %ne3A_89 : i1
        %sub3A = arith.constant 1 : i32
        %sub3A_91 = arith.subi %div3A, %sub3A : i32
        %select_n3A = arith.select %and3A_90, %sub3A_91, %div3A : i32
        %jit3A_92 = arith.constant 8 : i32
        %eq3A_93 = arith.constant 0 : i32
        %eq3A_94 = arith.cmpi eq, %jit3A_92, %eq3A_93 : i32
        %jit3A_95 = arith.constant 1 : i32
        %select_n3A_96 = arith.select %eq3A_94, %jit3A_95, %jit3A_92 : i32
        %rem3A_97 = arith.remsi %scan3A_73, %select_n3A_96 : i32
        %ne3A_98 = arith.constant 0 : i32
        %ne3A_99 = arith.cmpi ne, %rem3A_97, %ne3A_98 : i32
        %lt3A = arith.constant 0 : i32
        %lt3A_100 = arith.cmpi slt, %rem3A_97, %lt3A : i32
        %lt3A_101 = arith.constant 0 : i32
        %lt3A_102 = arith.cmpi slt, %select_n3A_96, %lt3A_101 : i32
        %ne3A_103 = arith.xori %lt3A_100, %lt3A_102 : i1
        %and3A_104 = arith.andi %ne3A_103, %ne3A_99 : i1
        %add3A_105 = arith.addi %rem3A_97, %select_n3A_96 : i32
        %select_n3A_106 = arith.select %and3A_104, %add3A_105, %rem3A_97 : i32
        %mul3A_107 = arith.constant 16 : i32
        %mul3A_108 = arith.muli %select_n3A_106, %mul3A_107 : i32
        %get3A_109 = arith.index_cast %select_n3A : i32 to index
        %get3A_110 = arith.index_cast %mul3A_108 : i32 to index
        %get3A_111 = tpu.vector_load %arg11[%get3A_109, %get3A_110] {strides = array<i32>} : memref<3x128xi32, #tpu.memory_space<vmem>>, vector<16xi32>,
        %reduce_sum3A = arith.constant true
        %reduce_sum3A_112 = vector.broadcast %reduce_sum3A : i1 to vector<16xi1>
        %reduce_sum3A_113 = tpu.scan <sum>, %get3A_111 masked %reduce_sum3A_112 : vector<16xi32>, vector<16xi1> -> vector<16xi32>
        %reduce_sum3A_114 = vector.extract %reduce_sum3A_113[15] : i32 from vector<16xi32>
        %add3A_115 = arith.addi %scan3A_74, %reduce_sum3A_114 : i32
        %mul3A_116 = arith.constant 16 : i32
        %mul3A_117 = arith.muli %scan3A_73, %mul3A_116 : i32
        %get3A_118 = arith.index_cast %mul3A_117 : i32 to index
        %get3A_119 = tpu.vector_load %arg10[%get3A_118] {strides = array<i32>} : memref<384xi32, #tpu.memory_space<vmem>>, vector<16xi32>,
        %reduce_sum3A_120 = arith.constant true
        %reduce_sum3A_121 = vector.broadcast %reduce_sum3A_120 : i1 to vector<16xi1>
        %reduce_sum3A_122 = tpu.scan <sum>, %get3A_119 masked %reduce_sum3A_121 : vector<16xi32>, vector<16xi1> -> vector<16xi32>
        %reduce_sum3A_123 = vector.extract %reduce_sum3A_122[15] : i32 from vector<16xi32>
        %add3A_124 = arith.addi %add3A_115, %reduce_sum3A_123 : i32
        scf.yield %add3A_124 : i32
      }
      %scan3A_21 = arith.constant 24 : i32
      %get3A = arith.constant 0 : index
      %get3A_22 = tpu.vector_load %arg10[%get3A] {strides = array<i32>} : memref<384xi32, #tpu.memory_space<vmem>>, vector<16xi32>,
      %mul3A_23 = arith.constant 0 : i32
      %mul3A_24 = arith.muli %scan3A_20, %mul3A_23 : i32
      %add3A = vector.broadcast %mul3A_24 : i32 to vector<16xi32>
      %add3A_25 = arith.addi %get3A_22, %add3A : vector<16xi32>
      %swap3A = arith.constant 0 : index
      %swap3A_26 = tpu.vector_load %arg10[%swap3A] {strides = array<i32>} : memref<384xi32, #tpu.memory_space<vmem>>, vector<16xi32>,
      tpu.vector_store %arg10[%swap3A], %add3A_25 {strides = array<i32>} : memref<384xi32, #tpu.memory_space<vmem>>, vector<16xi32>,
      "tpu.region"() ({
        %run_scoped3A = tpu.sem_alloc : memref<!tpu.dma_semaphore, #tpu.memory_space<semaphore_mem>>
        %dma_start3A_73 = tpu.memref_slice %arg5[%mul3A_9] : memref<6144xi32, #tpu.memory_space<hbm>> -> memref<384xi32, #tpu.memory_space<hbm>>
        %dma_start3A_74 = tpu.memref_slice %arg5[%mul3A_9] : memref<6144xi32, #tpu.memory_space<hbm>> -> memref<384xi32, #tpu.memory_space<hbm>>
        tpu.enqueue_dma source(%arg10 : memref<384xi32, #tpu.memory_space<vmem>>) target(%dma_start3A_74 : memref<384xi32, #tpu.memory_space<hbm>>) target_semaphore(%run_scoped3A : memref<!tpu.dma_semaphore, #tpu.memory_space<semaphore_mem>>)
        %dma_wait3A_75 = tpu.memref_slice %arg5[%mul3A_9] : memref<6144xi32, #tpu.memory_space<hbm>> -> memref<384xi32, #tpu.memory_space<hbm>>
        %dma_wait3A_76 = tpu.memref_slice %arg5[%mul3A_9] : memref<6144xi32, #tpu.memory_space<hbm>> -> memref<384xi32, #tpu.memory_space<hbm>>
        tpu.wait_dma2 semaphore(%run_scoped3A : memref<!tpu.dma_semaphore, #tpu.memory_space<semaphore_mem>>) src(%arg10 : memref<384xi32, #tpu.memory_space<vmem>>) dst(%dma_wait3A_76 : memref<384xi32, #tpu.memory_space<hbm>>)
        tpu.yield
      }) : () -> ()
      %dma_start3A = arith.constant 0 : i32
      %dma_start3A_27 = arith.constant 0 : i32
      %dma_start3A_28 = tpu.memref_slice %arg11[%dma_start3A, %dma_start3A_27] : memref<3x128xi32, #tpu.memory_space<vmem>> -> memref<1x128xi32, #tpu.memory_space<vmem>>
      %dma_start3A_29 = tpu.memref_squeeze %dma_start3A_28 : memref<1x128xi32, #tpu.memory_space<vmem>> -> memref<128xi32, #tpu.memory_space<vmem>>
      %dma_start3A_30 = arith.constant 0 : i32
      %dma_start3A_31 = arith.constant 0 : i32
      %dma_start3A_32 = tpu.memref_slice %arg3[%dma_start3A_30, %dma_start3A_31] : memref<20736x128xf32, #tpu.memory_space<hbm>> -> memref<20736x128xf32, #tpu.memory_space<hbm>>
      tpu.enqueue_indirect_dma source(%dma_start3A_32 : memref<20736x128xf32, #tpu.memory_space<hbm>>) target(%arg12 : memref<128x128xf32, #tpu.memory_space<vmem>>) offsets(%dma_start3A_29 : memref<128xi32, #tpu.memory_space<vmem>>) semaphore(%arg13 : memref<!tpu.dma_semaphore, #tpu.memory_space<semaphore_mem>>)
      %dma_wait3A = arith.constant 0 : i32
      %dma_wait3A_33 = arith.constant 0 : i32
      %dma_wait3A_34 = tpu.memref_slice %arg11[%dma_wait3A, %dma_wait3A_33] : memref<3x128xi32, #tpu.memory_space<vmem>> -> memref<1x128xi32, #tpu.memory_space<vmem>>
      %dma_wait3A_35 = tpu.memref_squeeze %dma_wait3A_34 : memref<1x128xi32, #tpu.memory_space<vmem>> -> memref<128xi32, #tpu.memory_space<vmem>>
      %dma_wait3A_36 = arith.constant 0 : i32
      %dma_wait3A_37 = arith.constant 0 : i32
      %dma_wait3A_38 = tpu.memref_slice %arg3[%dma_wait3A_36, %dma_wait3A_37] : memref<20736x128xf32, #tpu.memory_space<hbm>> -> memref<20736x128xf32, #tpu.memory_space<hbm>>
      tpu.wait_indirect_dma semaphore(%arg13 : memref<!tpu.dma_semaphore, #tpu.memory_space<semaphore_mem>>) src(%dma_wait3A_38 : memref<20736x128xf32, #tpu.memory_space<hbm>>) dst(%arg12 : memref<128x128xf32, #tpu.memory_space<vmem>>)
      %add3A_39 = arith.constant 0 : i32
      %add3A_40 = arith.addi %mul3A_9, %add3A_39 : i32
      "tpu.region"() ({
        %run_scoped3A = tpu.sem_alloc : memref<!tpu.dma_semaphore, #tpu.memory_space<semaphore_mem>>
        %dma_start3A_73 = arith.constant 0 : i32
        %dma_start3A_74 = tpu.memref_slice %arg4[%add3A_40, %dma_start3A_73] : memref<6144x128xf32, #tpu.memory_space<hbm>> -> memref<128x128xf32, #tpu.memory_space<hbm>>
        %dma_start3A_75 = arith.constant 0 : i32
        %dma_start3A_76 = tpu.memref_slice %arg4[%add3A_40, %dma_start3A_75] : memref<6144x128xf32, #tpu.memory_space<hbm>> -> memref<128x128xf32, #tpu.memory_space<hbm>>
        tpu.enqueue_dma source(%arg12 : memref<128x128xf32, #tpu.memory_space<vmem>>) target(%dma_start3A_76 : memref<128x128xf32, #tpu.memory_space<hbm>>) target_semaphore(%run_scoped3A : memref<!tpu.dma_semaphore, #tpu.memory_space<semaphore_mem>>)
        %dma_wait3A_77 = arith.constant 0 : i32
        %dma_wait3A_78 = tpu.memref_slice %arg4[%add3A_40, %dma_wait3A_77] : memref<6144x128xf32, #tpu.memory_space<hbm>> -> memref<128x128xf32, #tpu.memory_space<hbm>>
        %dma_wait3A_79 = arith.constant 0 : i32
        %dma_wait3A_80 = tpu.memref_slice %arg4[%add3A_40, %dma_wait3A_79] : memref<6144x128xf32, #tpu.memory_space<hbm>> -> memref<128x128xf32, #tpu.memory_space<hbm>>
        tpu.wait_dma2 semaphore(%run_scoped3A : memref<!tpu.dma_semaphore, #tpu.memory_space<semaphore_mem>>) src(%arg12 : memref<128x128xf32, #tpu.memory_space<vmem>>) dst(%dma_wait3A_80 : memref<128x128xf32, #tpu.memory_space<hbm>>)
        tpu.yield
      }) : () -> ()
      %dma_start3A_41 = arith.constant 1 : i32
      %dma_start3A_42 = arith.constant 0 : i32
      %dma_start3A_43 = tpu.memref_slice %arg11[%dma_start3A_41, %dma_start3A_42] : memref<3x128xi32, #tpu.memory_space<vmem>> -> memref<1x128xi32, #tpu.memory_space<vmem>>
      %dma_start3A_44 = tpu.memref_squeeze %dma_start3A_43 : memref<1x128xi32, #tpu.memory_space<vmem>> -> memref<128xi32, #tpu.memory_space<vmem>>
      %dma_start3A_45 = arith.constant 0 : i32
      %dma_start3A_46 = arith.constant 0 : i32
      %dma_start3A_47 = tpu.memref_slice %arg3[%dma_start3A_45, %dma_start3A_46] : memref<20736x128xf32, #tpu.memory_space<hbm>> -> memref<20736x128xf32, #tpu.memory_space<hbm>>
      tpu.enqueue_indirect_dma source(%dma_start3A_47 : memref<20736x128xf32, #tpu.memory_space<hbm>>) target(%arg12 : memref<128x128xf32, #tpu.memory_space<vmem>>) offsets(%dma_start3A_44 : memref<128xi32, #tpu.memory_space<vmem>>) semaphore(%arg13 : memref<!tpu.dma_semaphore, #tpu.memory_space<semaphore_mem>>)
      %dma_wait3A_48 = arith.constant 1 : i32
      %dma_wait3A_49 = arith.constant 0 : i32
      %dma_wait3A_50 = tpu.memref_slice %arg11[%dma_wait3A_48, %dma_wait3A_49] : memref<3x128xi32, #tpu.memory_space<vmem>> -> memref<1x128xi32, #tpu.memory_space<vmem>>
      %dma_wait3A_51 = tpu.memref_squeeze %dma_wait3A_50 : memref<1x128xi32, #tpu.memory_space<vmem>> -> memref<128xi32, #tpu.memory_space<vmem>>
      %dma_wait3A_52 = arith.constant 0 : i32
      %dma_wait3A_53 = arith.constant 0 : i32
      %dma_wait3A_54 = tpu.memref_slice %arg3[%dma_wait3A_52, %dma_wait3A_53] : memref<20736x128xf32, #tpu.memory_space<hbm>> -> memref<20736x128xf32, #tpu.memory_space<hbm>>
      tpu.wait_indirect_dma semaphore(%arg13 : memref<!tpu.dma_semaphore, #tpu.memory_space<semaphore_mem>>) src(%dma_wait3A_54 : memref<20736x128xf32, #tpu.memory_space<hbm>>) dst(%arg12 : memref<128x128xf32, #tpu.memory_space<vmem>>)
      %add3A_55 = arith.constant 128 : i32
      %add3A_56 = arith.addi %mul3A_9, %add3A_55 : i32
      "tpu.region"() ({
        %run_scoped3A = tpu.sem_alloc : memref<!tpu.dma_semaphore, #tpu.memory_space<semaphore_mem>>
        %dma_start3A_73 = arith.constant 0 : i32
        %dma_start3A_74 = tpu.memref_slice %arg4[%add3A_56, %dma_start3A_73] : memref<6144x128xf32, #tpu.memory_space<hbm>> -> memref<128x128xf32, #tpu.memory_space<hbm>>
        %dma_start3A_75 = arith.constant 0 : i32
        %dma_start3A_76 = tpu.memref_slice %arg4[%add3A_56, %dma_start3A_75] : memref<6144x128xf32, #tpu.memory_space<hbm>> -> memref<128x128xf32, #tpu.memory_space<hbm>>
        tpu.enqueue_dma source(%arg12 : memref<128x128xf32, #tpu.memory_space<vmem>>) target(%dma_start3A_76 : memref<128x128xf32, #tpu.memory_space<hbm>>) target_semaphore(%run_scoped3A : memref<!tpu.dma_semaphore, #tpu.memory_space<semaphore_mem>>)
        %dma_wait3A_77 = arith.constant 0 : i32
        %dma_wait3A_78 = tpu.memref_slice %arg4[%add3A_56, %dma_wait3A_77] : memref<6144x128xf32, #tpu.memory_space<hbm>> -> memref<128x128xf32, #tpu.memory_space<hbm>>
        %dma_wait3A_79 = arith.constant 0 : i32
        %dma_wait3A_80 = tpu.memref_slice %arg4[%add3A_56, %dma_wait3A_79] : memref<6144x128xf32, #tpu.memory_space<hbm>> -> memref<128x128xf32, #tpu.memory_space<hbm>>
        tpu.wait_dma2 semaphore(%run_scoped3A : memref<!tpu.dma_semaphore, #tpu.memory_space<semaphore_mem>>) src(%arg12 : memref<128x128xf32, #tpu.memory_space<vmem>>) dst(%dma_wait3A_80 : memref<128x128xf32, #tpu.memory_space<hbm>>)
        tpu.yield
      }) : () -> ()
      %dma_start3A_57 = arith.constant 2 : i32
      %dma_start3A_58 = arith.constant 0 : i32
      %dma_start3A_59 = tpu.memref_slice %arg11[%dma_start3A_57, %dma_start3A_58] : memref<3x128xi32, #tpu.memory_space<vmem>> -> memref<1x128xi32, #tpu.memory_space<vmem>>
      %dma_start3A_60 = tpu.memref_squeeze %dma_start3A_59 : memref<1x128xi32, #tpu.memory_space<vmem>> -> memref<128xi32, #tpu.memory_space<vmem>>
      %dma_start3A_61 = arith.constant 0 : i32
      %dma_start3A_62 = arith.constant 0 : i32
      %dma_start3A_63 = tpu.memref_slice %arg3[%dma_start3A_61, %dma_start3A_62] : memref<20736x128xf32, #tpu.memory_space<hbm>> -> memref<20736x128xf32, #tpu.memory_space<hbm>>
      tpu.enqueue_indirect_dma source(%dma_start3A_63 : memref<20736x128xf32, #tpu.memory_space<hbm>>) target(%arg12 : memref<128x128xf32, #tpu.memory_space<vmem>>) offsets(%dma_start3A_60 : memref<128xi32, #tpu.memory_space<vmem>>) semaphore(%arg13 : memref<!tpu.dma_semaphore, #tpu.memory_space<semaphore_mem>>)
      %dma_wait3A_64 = arith.constant 2 : i32
      %dma_wait3A_65 = arith.constant 0 : i32
      %dma_wait3A_66 = tpu.memref_slice %arg11[%dma_wait3A_64, %dma_wait3A_65] : memref<3x128xi32, #tpu.memory_space<vmem>> -> memref<1x128xi32, #tpu.memory_space<vmem>>
      %dma_wait3A_67 = tpu.memref_squeeze %dma_wait3A_66 : memref<1x128xi32, #tpu.memory_space<vmem>> -> memref<128xi32, #tpu.memory_space<vmem>>
      %dma_wait3A_68 = arith.constant 0 : i32
      %dma_wait3A_69 = arith.constant 0 : i32
      %dma_wait3A_70 = tpu.memref_slice %arg3[%dma_wait3A_68, %dma_wait3A_69] : memref<20736x128xf32, #tpu.memory_space<hbm>> -> memref<20736x128xf32, #tpu.memory_space<hbm>>
      tpu.wait_indirect_dma semaphore(%arg13 : memref<!tpu.dma_semaphore, #tpu.memory_space<semaphore_mem>>) src(%dma_wait3A_70 : memref<20736x128xf32, #tpu.memory_space<hbm>>) dst(%arg12 : memref<128x128xf32, #tpu.memory_space<vmem>>)
      %add3A_71 = arith.constant 256 : i32
      %add3A_72 = arith.addi %mul3A_9, %add3A_71 : i32
      "tpu.region"() ({
        %run_scoped3A = tpu.sem_alloc : memref<!tpu.dma_semaphore, #tpu.memory_space<semaphore_mem>>
        %dma_start3A_73 = arith.constant 0 : i32
        %dma_start3A_74 = tpu.memref_slice %arg4[%add3A_72, %dma_start3A_73] : memref<6144x128xf32, #tpu.memory_space<hbm>> -> memref<128x128xf32, #tpu.memory_space<hbm>>
        %dma_start3A_75 = arith.constant 0 : i32
        %dma_start3A_76 = tpu.memref_slice %arg4[%add3A_72, %dma_start3A_75] : memref<6144x128xf32, #tpu.memory_space<hbm>> -> memref<128x128xf32, #tpu.memory_space<hbm>>
        tpu.enqueue_dma source(%arg12 : memref<128x128xf32, #tpu.memory_space<vmem>>) target(%dma_start3A_76 : memref<128x128xf32, #tpu.memory_space<hbm>>) target_semaphore(%run_scoped3A : memref<!tpu.dma_semaphore, #tpu.memory_space<semaphore_mem>>)
        %dma_wait3A_77 = arith.constant 0 : i32
        %dma_wait3A_78 = tpu.memref_slice %arg4[%add3A_72, %dma_wait3A_77] : memref<6144x128xf32, #tpu.memory_space<hbm>> -> memref<128x128xf32, #tpu.memory_space<hbm>>
        %dma_wait3A_79 = arith.constant 0 : i32
        %dma_wait3A_80 = tpu.memref_slice %arg4[%add3A_72, %dma_wait3A_79] : memref<6144x128xf32, #tpu.memory_space<hbm>> -> memref<128x128xf32, #tpu.memory_space<hbm>>
        tpu.wait_dma2 semaphore(%run_scoped3A : memref<!tpu.dma_semaphore, #tpu.memory_space<semaphore_mem>>) src(%arg12 : memref<128x128xf32, #tpu.memory_space<vmem>>) dst(%dma_wait3A_80 : memref<128x128xf32, #tpu.memory_space<hbm>>)
        tpu.yield
      }) : () -> ()
    } else {
    }
    return
  }
}

module attributes {stable_mosaic.version = 14 : i64} {
  func.func @_conv_heads_kernel(%arg0: memref<50x50x256xf32, #tpu.memory_space<vmem>>, %arg1: memref<9x256x256xf32, #tpu.memory_space<vmem>>, %arg2: memref<1x256xf32, #tpu.memory_space<vmem>>, %arg3: memref<256x128xf32, #tpu.memory_space<vmem>>, %arg4: memref<1x128xf32, #tpu.memory_space<vmem>>, %arg5: memref<2304x128xf32, #tpu.memory_space<vmem>>) attributes {dimension_semantics = [], scalar_prefetch = 0 : i64, scratch_operands = 0 : i64, tpu.core_type = #tpu.core_type<tc>} {
    %broadcast_in_dim3A = arith.constant 0.000000e+00 : f32
    %broadcast_in_dim3A_0 = vector.broadcast %broadcast_in_dim3A : f32 to vector<2304x256xf32>
    %get3A = arith.constant 0 : index
    %get3A_1 = arith.constant 0 : index
    %get3A_2 = arith.constant 0 : index
    %get3A_3 = vector.load %arg0[%get3A, %get3A_1, %get3A_2] : memref<50x50x256xf32, #tpu.memory_space<vmem>>, vector<48x48x256xf32>
    %reshape3A = vector.shape_cast %get3A_3 : vector<48x48x256xf32> to vector<2304x256xf32>
    %get3A_4 = arith.constant 0 : index
    %get3A_5 = arith.constant 0 : index
    %get3A_6 = arith.constant 0 : index
    %get3A_7 = vector.load %arg1[%get3A_4, %get3A_5, %get3A_6] : memref<9x256x256xf32, #tpu.memory_space<vmem>>, vector<1x256x256xf32>
    %get3A_8 = vector.shape_cast %get3A_7 : vector<1x256x256xf32> to vector<256x256xf32>
    %dot_general3A = arith.constant dense<0.000000e+00> : vector<2304x256xf32>
    %dot_general3A_9 = tpu.matmul %reshape3A, %get3A_8, %dot_general3A {dimension_numbers = #tpu.dot_dimension_numbers<[1], [0], [0], [1], [0, 0, 1, 1], [], []>, transpose_lhs_hint = false} : vector<2304x256xf32>, vector<256x256xf32>, vector<2304x256xf32> -> vector<2304x256xf32>
    %add3A = arith.addf %broadcast_in_dim3A_0, %dot_general3A_9 : vector<2304x256xf32>
    %get3A_10 = arith.constant 0 : index
    %get3A_11 = arith.constant 1 : index
    %get3A_12 = arith.constant 0 : index
    %get3A_13 = vector.load %arg0[%get3A_10, %get3A_11, %get3A_12] : memref<50x50x256xf32, #tpu.memory_space<vmem>>, vector<48x48x256xf32>
    %reshape3A_14 = vector.shape_cast %get3A_13 : vector<48x48x256xf32> to vector<2304x256xf32>
    %get3A_15 = arith.constant 1 : index
    %get3A_16 = arith.constant 0 : index
    %get3A_17 = arith.constant 0 : index
    %get3A_18 = vector.load %arg1[%get3A_15, %get3A_16, %get3A_17] : memref<9x256x256xf32, #tpu.memory_space<vmem>>, vector<1x256x256xf32>
    %get3A_19 = vector.shape_cast %get3A_18 : vector<1x256x256xf32> to vector<256x256xf32>
    %dot_general3A_20 = arith.constant dense<0.000000e+00> : vector<2304x256xf32>
    %dot_general3A_21 = tpu.matmul %reshape3A_14, %get3A_19, %dot_general3A_20 {dimension_numbers = #tpu.dot_dimension_numbers<[1], [0], [0], [1], [0, 0, 1, 1], [], []>, transpose_lhs_hint = false} : vector<2304x256xf32>, vector<256x256xf32>, vector<2304x256xf32> -> vector<2304x256xf32>
    %add3A_22 = arith.addf %add3A, %dot_general3A_21 : vector<2304x256xf32>
    %get3A_23 = arith.constant 0 : index
    %get3A_24 = arith.constant 2 : index
    %get3A_25 = arith.constant 0 : index
    %get3A_26 = vector.load %arg0[%get3A_23, %get3A_24, %get3A_25] : memref<50x50x256xf32, #tpu.memory_space<vmem>>, vector<48x48x256xf32>
    %reshape3A_27 = vector.shape_cast %get3A_26 : vector<48x48x256xf32> to vector<2304x256xf32>
    %get3A_28 = arith.constant 2 : index
    %get3A_29 = arith.constant 0 : index
    %get3A_30 = arith.constant 0 : index
    %get3A_31 = vector.load %arg1[%get3A_28, %get3A_29, %get3A_30] : memref<9x256x256xf32, #tpu.memory_space<vmem>>, vector<1x256x256xf32>
    %get3A_32 = vector.shape_cast %get3A_31 : vector<1x256x256xf32> to vector<256x256xf32>
    %dot_general3A_33 = arith.constant dense<0.000000e+00> : vector<2304x256xf32>
    %dot_general3A_34 = tpu.matmul %reshape3A_27, %get3A_32, %dot_general3A_33 {dimension_numbers = #tpu.dot_dimension_numbers<[1], [0], [0], [1], [0, 0, 1, 1], [], []>, transpose_lhs_hint = false} : vector<2304x256xf32>, vector<256x256xf32>, vector<2304x256xf32> -> vector<2304x256xf32>
    %add3A_35 = arith.addf %add3A_22, %dot_general3A_34 : vector<2304x256xf32>
    %get3A_36 = arith.constant 1 : index
    %get3A_37 = arith.constant 0 : index
    %get3A_38 = arith.constant 0 : index
    %get3A_39 = vector.load %arg0[%get3A_36, %get3A_37, %get3A_38] : memref<50x50x256xf32, #tpu.memory_space<vmem>>, vector<48x48x256xf32>
    %reshape3A_40 = vector.shape_cast %get3A_39 : vector<48x48x256xf32> to vector<2304x256xf32>
    %get3A_41 = arith.constant 3 : index
    %get3A_42 = arith.constant 0 : index
    %get3A_43 = arith.constant 0 : index
    %get3A_44 = vector.load %arg1[%get3A_41, %get3A_42, %get3A_43] : memref<9x256x256xf32, #tpu.memory_space<vmem>>, vector<1x256x256xf32>
    %get3A_45 = vector.shape_cast %get3A_44 : vector<1x256x256xf32> to vector<256x256xf32>
    %dot_general3A_46 = arith.constant dense<0.000000e+00> : vector<2304x256xf32>
    %dot_general3A_47 = tpu.matmul %reshape3A_40, %get3A_45, %dot_general3A_46 {dimension_numbers = #tpu.dot_dimension_numbers<[1], [0], [0], [1], [0, 0, 1, 1], [], []>, transpose_lhs_hint = false} : vector<2304x256xf32>, vector<256x256xf32>, vector<2304x256xf32> -> vector<2304x256xf32>
    %add3A_48 = arith.addf %add3A_35, %dot_general3A_47 : vector<2304x256xf32>
    %get3A_49 = arith.constant 1 : index
    %get3A_50 = arith.constant 1 : index
    %get3A_51 = arith.constant 0 : index
    %get3A_52 = vector.load %arg0[%get3A_49, %get3A_50, %get3A_51] : memref<50x50x256xf32, #tpu.memory_space<vmem>>, vector<48x48x256xf32>
    %reshape3A_53 = vector.shape_cast %get3A_52 : vector<48x48x256xf32> to vector<2304x256xf32>
    %get3A_54 = arith.constant 4 : index
    %get3A_55 = arith.constant 0 : index
    %get3A_56 = arith.constant 0 : index
    %get3A_57 = vector.load %arg1[%get3A_54, %get3A_55, %get3A_56] : memref<9x256x256xf32, #tpu.memory_space<vmem>>, vector<1x256x256xf32>
    %get3A_58 = vector.shape_cast %get3A_57 : vector<1x256x256xf32> to vector<256x256xf32>
    %dot_general3A_59 = arith.constant dense<0.000000e+00> : vector<2304x256xf32>
    %dot_general3A_60 = tpu.matmul %reshape3A_53, %get3A_58, %dot_general3A_59 {dimension_numbers = #tpu.dot_dimension_numbers<[1], [0], [0], [1], [0, 0, 1, 1], [], []>, transpose_lhs_hint = false} : vector<2304x256xf32>, vector<256x256xf32>, vector<2304x256xf32> -> vector<2304x256xf32>
    %add3A_61 = arith.addf %add3A_48, %dot_general3A_60 : vector<2304x256xf32>
    %get3A_62 = arith.constant 1 : index
    %get3A_63 = arith.constant 2 : index
    %get3A_64 = arith.constant 0 : index
    %get3A_65 = vector.load %arg0[%get3A_62, %get3A_63, %get3A_64] : memref<50x50x256xf32, #tpu.memory_space<vmem>>, vector<48x48x256xf32>
    %reshape3A_66 = vector.shape_cast %get3A_65 : vector<48x48x256xf32> to vector<2304x256xf32>
    %get3A_67 = arith.constant 5 : index
    %get3A_68 = arith.constant 0 : index
    %get3A_69 = arith.constant 0 : index
    %get3A_70 = vector.load %arg1[%get3A_67, %get3A_68, %get3A_69] : memref<9x256x256xf32, #tpu.memory_space<vmem>>, vector<1x256x256xf32>
    %get3A_71 = vector.shape_cast %get3A_70 : vector<1x256x256xf32> to vector<256x256xf32>
    %dot_general3A_72 = arith.constant dense<0.000000e+00> : vector<2304x256xf32>
    %dot_general3A_73 = tpu.matmul %reshape3A_66, %get3A_71, %dot_general3A_72 {dimension_numbers = #tpu.dot_dimension_numbers<[1], [0], [0], [1], [0, 0, 1, 1], [], []>, transpose_lhs_hint = false} : vector<2304x256xf32>, vector<256x256xf32>, vector<2304x256xf32> -> vector<2304x256xf32>
    %add3A_74 = arith.addf %add3A_61, %dot_general3A_73 : vector<2304x256xf32>
    %get3A_75 = arith.constant 2 : index
    %get3A_76 = arith.constant 0 : index
    %get3A_77 = arith.constant 0 : index
    %get3A_78 = vector.load %arg0[%get3A_75, %get3A_76, %get3A_77] : memref<50x50x256xf32, #tpu.memory_space<vmem>>, vector<48x48x256xf32>
    %reshape3A_79 = vector.shape_cast %get3A_78 : vector<48x48x256xf32> to vector<2304x256xf32>
    %get3A_80 = arith.constant 6 : index
    %get3A_81 = arith.constant 0 : index
    %get3A_82 = arith.constant 0 : index
    %get3A_83 = vector.load %arg1[%get3A_80, %get3A_81, %get3A_82] : memref<9x256x256xf32, #tpu.memory_space<vmem>>, vector<1x256x256xf32>
    %get3A_84 = vector.shape_cast %get3A_83 : vector<1x256x256xf32> to vector<256x256xf32>
    %dot_general3A_85 = arith.constant dense<0.000000e+00> : vector<2304x256xf32>
    %dot_general3A_86 = tpu.matmul %reshape3A_79, %get3A_84, %dot_general3A_85 {dimension_numbers = #tpu.dot_dimension_numbers<[1], [0], [0], [1], [0, 0, 1, 1], [], []>, transpose_lhs_hint = false} : vector<2304x256xf32>, vector<256x256xf32>, vector<2304x256xf32> -> vector<2304x256xf32>
    %add3A_87 = arith.addf %add3A_74, %dot_general3A_86 : vector<2304x256xf32>
    %get3A_88 = arith.constant 2 : index
    %get3A_89 = arith.constant 1 : index
    %get3A_90 = arith.constant 0 : index
    %get3A_91 = vector.load %arg0[%get3A_88, %get3A_89, %get3A_90] : memref<50x50x256xf32, #tpu.memory_space<vmem>>, vector<48x48x256xf32>
    %reshape3A_92 = vector.shape_cast %get3A_91 : vector<48x48x256xf32> to vector<2304x256xf32>
    %get3A_93 = arith.constant 7 : index
    %get3A_94 = arith.constant 0 : index
    %get3A_95 = arith.constant 0 : index
    %get3A_96 = vector.load %arg1[%get3A_93, %get3A_94, %get3A_95] : memref<9x256x256xf32, #tpu.memory_space<vmem>>, vector<1x256x256xf32>
    %get3A_97 = vector.shape_cast %get3A_96 : vector<1x256x256xf32> to vector<256x256xf32>
    %dot_general3A_98 = arith.constant dense<0.000000e+00> : vector<2304x256xf32>
    %dot_general3A_99 = tpu.matmul %reshape3A_92, %get3A_97, %dot_general3A_98 {dimension_numbers = #tpu.dot_dimension_numbers<[1], [0], [0], [1], [0, 0, 1, 1], [], []>, transpose_lhs_hint = false} : vector<2304x256xf32>, vector<256x256xf32>, vector<2304x256xf32> -> vector<2304x256xf32>
    %add3A_100 = arith.addf %add3A_87, %dot_general3A_99 : vector<2304x256xf32>
    %get3A_101 = arith.constant 2 : index
    %get3A_102 = arith.constant 2 : index
    %get3A_103 = arith.constant 0 : index
    %get3A_104 = vector.load %arg0[%get3A_101, %get3A_102, %get3A_103] : memref<50x50x256xf32, #tpu.memory_space<vmem>>, vector<48x48x256xf32>
    %reshape3A_105 = vector.shape_cast %get3A_104 : vector<48x48x256xf32> to vector<2304x256xf32>
    %get3A_106 = arith.constant 8 : index
    %get3A_107 = arith.constant 0 : index
    %get3A_108 = arith.constant 0 : index
    %get3A_109 = vector.load %arg1[%get3A_106, %get3A_107, %get3A_108] : memref<9x256x256xf32, #tpu.memory_space<vmem>>, vector<1x256x256xf32>
    %get3A_110 = vector.shape_cast %get3A_109 : vector<1x256x256xf32> to vector<256x256xf32>
    %dot_general3A_111 = arith.constant dense<0.000000e+00> : vector<2304x256xf32>
    %dot_general3A_112 = tpu.matmul %reshape3A_105, %get3A_110, %dot_general3A_111 {dimension_numbers = #tpu.dot_dimension_numbers<[1], [0], [0], [1], [0, 0, 1, 1], [], []>, transpose_lhs_hint = false} : vector<2304x256xf32>, vector<256x256xf32>, vector<2304x256xf32> -> vector<2304x256xf32>
    %add3A_113 = arith.addf %add3A_100, %dot_general3A_112 : vector<2304x256xf32>
    %get3A_114 = arith.constant 0 : index
    %get3A_115 = arith.constant 0 : index
    %get3A_116 = vector.load %arg2[%get3A_114, %get3A_115] : memref<1x256xf32, #tpu.memory_space<vmem>>, vector<1x256xf32>
    %add3A_117 = vector.broadcast %get3A_116 : vector<1x256xf32> to vector<2304x256xf32>
    %add3A_118 = arith.addf %add3A_113, %add3A_117 : vector<2304x256xf32>
    %max3A = arith.constant 0.000000e+00 : f32
    %max3A_119 = vector.broadcast %max3A : f32 to vector<2304x256xf32>
    %max3A_120 = arith.maximumf %add3A_118, %max3A_119 : vector<2304x256xf32>
    %get3A_121 = arith.constant 0 : index
    %get3A_122 = arith.constant 0 : index
    %get3A_123 = vector.load %arg3[%get3A_121, %get3A_122] : memref<256x128xf32, #tpu.memory_space<vmem>>, vector<256x128xf32>
    %dot_general3A_124 = arith.constant dense<0.000000e+00> : vector<2304x128xf32>
    %dot_general3A_125 = tpu.matmul %max3A_120, %get3A_123, %dot_general3A_124 {dimension_numbers = #tpu.dot_dimension_numbers<[1], [0], [0], [1], [0, 0, 1, 1], [], []>, transpose_lhs_hint = false} : vector<2304x256xf32>, vector<256x128xf32>, vector<2304x128xf32> -> vector<2304x128xf32>
    %get3A_126 = arith.constant 0 : index
    %get3A_127 = arith.constant 0 : index
    %get3A_128 = vector.load %arg4[%get3A_126, %get3A_127] : memref<1x128xf32, #tpu.memory_space<vmem>>, vector<1x128xf32>
    %add3A_129 = vector.broadcast %get3A_128 : vector<1x128xf32> to vector<2304x128xf32>
    %add3A_130 = arith.addf %dot_general3A_125, %add3A_129 : vector<2304x128xf32>
    %swap3A = arith.constant 0 : index
    %swap3A_131 = arith.constant 0 : index
    %swap3A_132 = vector.load %arg5[%swap3A, %swap3A_131] : memref<2304x128xf32, #tpu.memory_space<vmem>>, vector<2304x128xf32>
    tpu.vector_store %arg5[%swap3A, %swap3A_131], %add3A_130 {strides = array<i32>} : memref<2304x128xf32, #tpu.memory_space<vmem>>, vector<2304x128xf32>,
    return
  }
}

module attributes {stable_mosaic.version = 14 : i64} {
  func.func @_decode_rank_kernel(%arg0: memref<162x128xf32, #tpu.memory_space<vmem>>, %arg1: memref<162x128xf32, #tpu.memory_space<vmem>>, %arg2: memref<162x128xf32, #tpu.memory_space<vmem>>, %arg3: memref<162x128xf32, #tpu.memory_space<vmem>>, %arg4: memref<162x128xf32, #tpu.memory_space<vmem>>, %arg5: memref<162x128xf32, #tpu.memory_space<vmem>>, %arg6: memref<162x128xf32, #tpu.memory_space<vmem>>, %arg7: memref<162x128xf32, #tpu.memory_space<vmem>>, %arg8: memref<162x128xf32, #tpu.memory_space<vmem>>, %arg9: memref<162x128xf32, #tpu.memory_space<vmem>>, %arg10: memref<162x128xf32, #tpu.memory_space<vmem>>, %arg11: memref<162x128xf32, #tpu.memory_space<vmem>>, %arg12: memref<162x128xf32, #tpu.memory_space<vmem>>, %arg13: memref<162x128xf32, #tpu.memory_space<vmem>>, %arg14: memref<162x128xi32, #tpu.memory_space<vmem>>) attributes {dimension_semantics = [], scalar_prefetch = 0 : i64, scratch_operands = 0 : i64, tpu.core_type = #tpu.core_type<tc>} {
    %get3A = arith.constant 0 : index
    %get3A_0 = arith.constant 0 : index
    %get3A_1 = vector.load %arg0[%get3A, %get3A_0] : memref<162x128xf32, #tpu.memory_space<vmem>>, vector<162x128xf32>
    %get3A_2 = arith.constant 0 : index
    %get3A_3 = arith.constant 0 : index
    %get3A_4 = vector.load %arg5[%get3A_2, %get3A_3] : memref<162x128xf32, #tpu.memory_space<vmem>>, vector<162x128xf32>
    %get3A_5 = arith.constant 0 : index
    %get3A_6 = arith.constant 0 : index
    %get3A_7 = vector.load %arg6[%get3A_5, %get3A_6] : memref<162x128xf32, #tpu.memory_space<vmem>>, vector<162x128xf32>
    %get3A_8 = arith.constant 0 : index
    %get3A_9 = arith.constant 0 : index
    %get3A_10 = vector.load %arg3[%get3A_8, %get3A_9] : memref<162x128xf32, #tpu.memory_space<vmem>>, vector<162x128xf32>
    %min3A = arith.constant 4.13516665 : f32
    %min3A_11 = vector.broadcast %min3A : f32 to vector<162x128xf32>
    %min3A_12 = arith.minimumf %get3A_10, %min3A_11 : vector<162x128xf32>
    %get3A_13 = arith.constant 0 : index
    %get3A_14 = arith.constant 0 : index
    %get3A_15 = vector.load %arg4[%get3A_13, %get3A_14] : memref<162x128xf32, #tpu.memory_space<vmem>>, vector<162x128xf32>
    %min3A_16 = arith.constant 4.13516665 : f32
    %min3A_17 = vector.broadcast %min3A_16 : f32 to vector<162x128xf32>
    %min3A_18 = arith.minimumf %get3A_15, %min3A_17 : vector<162x128xf32>
    %get3A_19 = arith.constant 0 : index
    %get3A_20 = arith.constant 0 : index
    %get3A_21 = vector.load %arg1[%get3A_19, %get3A_20] : memref<162x128xf32, #tpu.memory_space<vmem>>, vector<162x128xf32>
    %mul3A = arith.mulf %get3A_21, %get3A_4 : vector<162x128xf32>
    %get3A_22 = arith.constant 0 : index
    %get3A_23 = arith.constant 0 : index
    %get3A_24 = vector.load %arg7[%get3A_22, %get3A_23] : memref<162x128xf32, #tpu.memory_space<vmem>>, vector<162x128xf32>
    %add3A = arith.addf %mul3A, %get3A_24 : vector<162x128xf32>
    %get3A_25 = arith.constant 0 : index
    %get3A_26 = arith.constant 0 : index
    %get3A_27 = vector.load %arg2[%get3A_25, %get3A_26] : memref<162x128xf32, #tpu.memory_space<vmem>>, vector<162x128xf32>
    %mul3A_28 = arith.mulf %get3A_27, %get3A_7 : vector<162x128xf32>
    %get3A_29 = arith.constant 0 : index
    %get3A_30 = arith.constant 0 : index
    %get3A_31 = vector.load %arg8[%get3A_29, %get3A_30] : memref<162x128xf32, #tpu.memory_space<vmem>>, vector<162x128xf32>
    %add3A_32 = arith.addf %mul3A_28, %get3A_31 : vector<162x128xf32>
    %exp3A = math.exp %min3A_12 : vector<162x128xf32>
    %mul3A_33 = arith.mulf %exp3A, %get3A_4 : vector<162x128xf32>
    %exp3A_34 = math.exp %min3A_18 : vector<162x128xf32>
    %mul3A_35 = arith.mulf %exp3A_34, %get3A_7 : vector<162x128xf32>
    %mul3A_36 = arith.constant 5.000000e-01 : f32
    %mul3A_37 = vector.broadcast %mul3A_36 : f32 to vector<162x128xf32>
    %mul3A_38 = arith.mulf %mul3A_37, %mul3A_33 : vector<162x128xf32>
    %sub3A = arith.subf %add3A, %mul3A_38 : vector<162x128xf32>
    %jit3A = arith.constant 0.000000e+00 : f32
    %jit3A_39 = arith.constant 7.680000e+02 : f32
    %max3A = vector.broadcast %jit3A : f32 to vector<162x128xf32>
    %max3A_40 = arith.maximumf %max3A, %sub3A : vector<162x128xf32>
    %min3A_41 = vector.broadcast %jit3A_39 : f32 to vector<162x128xf32>
    %min3A_42 = arith.minimumf %min3A_41, %max3A_40 : vector<162x128xf32>
    %mul3A_43 = arith.constant 5.000000e-01 : f32
    %mul3A_44 = vector.broadcast %mul3A_43 : f32 to vector<162x128xf32>
    %mul3A_45 = arith.mulf %mul3A_44, %mul3A_35 : vector<162x128xf32>
    %sub3A_46 = arith.subf %add3A_32, %mul3A_45 : vector<162x128xf32>
    %jit3A_47 = arith.constant 0.000000e+00 : f32
    %jit3A_48 = arith.constant 7.680000e+02 : f32
    %max3A_49 = vector.broadcast %jit3A_47 : f32 to vector<162x128xf32>
    %max3A_50 = arith.maximumf %max3A_49, %sub3A_46 : vector<162x128xf32>
    %min3A_51 = vector.broadcast %jit3A_48 : f32 to vector<162x128xf32>
    %min3A_52 = arith.minimumf %min3A_51, %max3A_50 : vector<162x128xf32>
    %mul3A_53 = arith.constant 5.000000e-01 : f32
    %mul3A_54 = vector.broadcast %mul3A_53 : f32 to vector<162x128xf32>
    %mul3A_55 = arith.mulf %mul3A_54, %mul3A_33 : vector<162x128xf32>
    %add3A_56 = arith.addf %add3A, %mul3A_55 : vector<162x128xf32>
    %jit3A_57 = arith.constant 0.000000e+00 : f32
    %jit3A_58 = arith.constant 7.680000e+02 : f32
    %max3A_59 = vector.broadcast %jit3A_57 : f32 to vector<162x128xf32>
    %max3A_60 = arith.maximumf %max3A_59, %add3A_56 : vector<162x128xf32>
    %min3A_61 = vector.broadcast %jit3A_58 : f32 to vector<162x128xf32>
    %min3A_62 = arith.minimumf %min3A_61, %max3A_60 : vector<162x128xf32>
    %mul3A_63 = arith.constant 5.000000e-01 : f32
    %mul3A_64 = vector.broadcast %mul3A_63 : f32 to vector<162x128xf32>
    %mul3A_65 = arith.mulf %mul3A_64, %mul3A_35 : vector<162x128xf32>
    %add3A_66 = arith.addf %add3A_32, %mul3A_65 : vector<162x128xf32>
    %jit3A_67 = arith.constant 0.000000e+00 : f32
    %jit3A_68 = arith.constant 7.680000e+02 : f32
    %max3A_69 = vector.broadcast %jit3A_67 : f32 to vector<162x128xf32>
    %max3A_70 = arith.maximumf %max3A_69, %add3A_66 : vector<162x128xf32>
    %min3A_71 = vector.broadcast %jit3A_68 : f32 to vector<162x128xf32>
    %min3A_72 = arith.minimumf %min3A_71, %max3A_70 : vector<162x128xf32>
    %sub3A_73 = arith.subf %min3A_62, %min3A_42 : vector<162x128xf32>
    %ge3A = arith.constant 1.000000e-03 : f32
    %ge3A_74 = vector.broadcast %ge3A : f32 to vector<162x128xf32>
    %ge3A_75 = arith.cmpf oge, %sub3A_73, %ge3A_74 : vector<162x128xf32>
    %sub3A_76 = arith.subf %min3A_72, %min3A_52 : vector<162x128xf32>
    %ge3A_77 = arith.constant 1.000000e-03 : f32
    %ge3A_78 = vector.broadcast %ge3A_77 : f32 to vector<162x128xf32>
    %ge3A_79 = arith.cmpf oge, %sub3A_76, %ge3A_78 : vector<162x128xf32>
    %and3A = arith.andi %ge3A_75, %ge3A_79 : vector<162x128xi1>
    %bitcast_convert_type3A = tpu.bitcast %get3A_1 : vector<162x128xf32> -> vector<162x128xi32>
    %shift_right_arithmetic3A = arith.constant 31 : i32
    %shift_right_arithmetic3A_80 = vector.broadcast %shift_right_arithmetic3A : i32 to vector<162x128xi32>
    %shift_right_arithmetic3A_81 = arith.shrsi %bitcast_convert_type3A, %shift_right_arithmetic3A_80 : vector<162x128xi32>
    %and3A_82 = arith.constant 2147483647 : i32
    %and3A_83 = vector.broadcast %and3A_82 : i32 to vector<162x128xi32>
    %and3A_84 = arith.andi %shift_right_arithmetic3A_81, %and3A_83 : vector<162x128xi32>
    %xor3A = arith.xori %bitcast_convert_type3A, %and3A_84 : vector<162x128xi32>
    %reduce_min3A = vector.shape_cast %xor3A : vector<162x128xi32> to vector<1x162x128xi32>
    %reduce_min3A_85 = arith.constant dense<2147483647> : vector<1xi32>
    %reduce_min3A_86 = vector.multi_reduction <minsi>, %reduce_min3A, %reduce_min3A_85 [1, 2] : vector<1x162x128xi32> to vector<1xi32>
    %reduce_min3A_87 = vector.shape_cast %reduce_min3A_86 : vector<1xi32> to vector<1x1x1xi32>
    %reduce_min3A_88 = vector.extract %reduce_min3A_87[0, 0, 0] : i32 from vector<1x1x1xi32>
    %sub3A_89 = arith.constant 1 : i32
    %sub3A_90 = arith.subi %reduce_min3A_88, %sub3A_89 : i32
    %reduce_max3A = vector.shape_cast %xor3A : vector<162x128xi32> to vector<1x162x128xi32>
    %reduce_max3A_91 = arith.constant dense<-2147483648> : vector<1xi32>
    %reduce_max3A_92 = vector.multi_reduction <maxsi>, %reduce_max3A, %reduce_max3A_91 [1, 2] : vector<1x162x128xi32> to vector<1xi32>
    %reduce_max3A_93 = vector.shape_cast %reduce_max3A_92 : vector<1xi32> to vector<1x1x1xi32>
    %reduce_max3A_94 = vector.extract %reduce_max3A_93[0, 0, 0] : i32 from vector<1x1x1xi32>
    %scan3A = arith.constant 0 : i32
    %scan3A_95 = arith.constant 33 : i32
    %scan3A_96 = arith.addi %scan3A, %scan3A_95 : i32
    %scan3A_97 = arith.constant 1 : i32
    %scan3A_98:2 = scf.for %scan3A_181 = %scan3A to %scan3A_96 step %scan3A_97 iter_args(%scan3A_182 = %sub3A_90, %scan3A_183 = %reduce_max3A_94) -> (i32, i32)  : i32 {
      %and3A_184 = arith.andi %scan3A_182, %scan3A_183 : i32
      %xor3A_185 = arith.xori %scan3A_182, %scan3A_183 : i32
      %shift_right_arithmetic3A_186 = arith.constant 1 : i32
      %shift_right_arithmetic3A_187 = arith.shrsi %xor3A_185, %shift_right_arithmetic3A_186 : i32
      %add3A_188 = arith.addi %and3A_184, %shift_right_arithmetic3A_187 : i32
      %gt3A_189 = vector.broadcast %add3A_188 : i32 to vector<162x128xi32>
      %gt3A_190 = arith.cmpi sgt, %xor3A, %gt3A_189 : vector<162x128xi32>
      %jit3A_191 = arith.constant 1 : i32
      %jit3A_192 = arith.constant 0 : i32
      %broadcast_in_dim3A_193 = vector.broadcast %jit3A_191 : i32 to vector<162x128xi32>
      %broadcast_in_dim3A_194 = vector.broadcast %jit3A_192 : i32 to vector<162x128xi32>
      %select_n3A_195 = arith.select %gt3A_190, %broadcast_in_dim3A_193, %broadcast_in_dim3A_194 : vector<162x128xi1>, vector<162x128xi32>
      %reduce_sum3A_196 = vector.shape_cast %select_n3A_195 : vector<162x128xi32> to vector<1x162x128xi32>
      %reduce_sum3A_197 = arith.constant dense<0> : vector<1xi32>
      %reduce_sum3A_198 = vector.multi_reduction <add>, %reduce_sum3A_196, %reduce_sum3A_197 [1, 2] : vector<1x162x128xi32> to vector<1xi32>
      %reduce_sum3A_199 = vector.shape_cast %reduce_sum3A_198 : vector<1xi32> to vector<1x1x1xi32>
      %reduce_sum3A_200 = vector.extract %reduce_sum3A_199[0, 0, 0] : i32 from vector<1x1x1xi32>
      %ge3A_201 = arith.constant 6000 : i32
      %ge3A_202 = arith.cmpi sge, %reduce_sum3A_200, %ge3A_201 : i32
      %select_n3A_203 = arith.select %ge3A_202, %add3A_188, %scan3A_182 : i32
      %select_n3A_204 = arith.select %ge3A_202, %scan3A_183, %add3A_188 : i32
      scf.yield %select_n3A_203, %select_n3A_204 : i32, i32
    }
    %gt3A = vector.broadcast %scan3A_98#1 : i32 to vector<162x128xi32>
    %gt3A_99 = arith.cmpi sgt, %xor3A, %gt3A : vector<162x128xi32>
    %jit3A_100 = arith.constant 1 : i32
    %jit3A_101 = arith.constant 0 : i32
    %broadcast_in_dim3A = vector.broadcast %jit3A_100 : i32 to vector<162x128xi32>
    %broadcast_in_dim3A_102 = vector.broadcast %jit3A_101 : i32 to vector<162x128xi32>
    %select_n3A = arith.select %gt3A_99, %broadcast_in_dim3A, %broadcast_in_dim3A_102 : vector<162x128xi1>, vector<162x128xi32>
    %reduce_sum3A = vector.shape_cast %select_n3A : vector<162x128xi32> to vector<1x162x128xi32>
    %reduce_sum3A_103 = arith.constant dense<0> : vector<1xi32>
    %reduce_sum3A_104 = vector.multi_reduction <add>, %reduce_sum3A, %reduce_sum3A_103 [1, 2] : vector<1x162x128xi32> to vector<1xi32>
    %reduce_sum3A_105 = vector.shape_cast %reduce_sum3A_104 : vector<1xi32> to vector<1x1x1xi32>
    %reduce_sum3A_106 = vector.extract %reduce_sum3A_105[0, 0, 0] : i32 from vector<1x1x1xi32>
    %eq3A = vector.broadcast %scan3A_98#1 : i32 to vector<162x128xi32>
    %eq3A_107 = arith.cmpi eq, %xor3A, %eq3A : vector<162x128xi32>
    %iota3A = tpu.iota {dimensions = array<i32: 0>} : vector<162x128xi32>
    %iota3A_108 = tpu.iota {dimensions = array<i32: 1>} : vector<162x128xi32>
    %mul3A_109 = arith.constant 128 : i32
    %mul3A_110 = vector.broadcast %mul3A_109 : i32 to vector<162x128xi32>
    %mul3A_111 = arith.muli %iota3A, %mul3A_110 : vector<162x128xi32>
    %add3A_112 = arith.addi %mul3A_111, %iota3A_108 : vector<162x128xi32>
    %scan3A_113 = arith.constant -1 : i32
    %scan3A_114 = arith.constant 20735 : i32
    %scan3A_115 = arith.constant 0 : i32
    %scan3A_116 = arith.constant 16 : i32
    %scan3A_117 = arith.addi %scan3A_115, %scan3A_116 : i32
    %scan3A_118 = arith.constant 1 : i32
    %scan3A_119:2 = scf.for %scan3A_181 = %scan3A_115 to %scan3A_117 step %scan3A_118 iter_args(%scan3A_182 = %scan3A_113, %scan3A_183 = %scan3A_114) -> (i32, i32)  : i32 {
      %add3A_184 = arith.addi %scan3A_182, %scan3A_183 : i32
      %jit3A_185 = arith.constant 2 : i32
      %div3A = arith.divsi %add3A_184, %jit3A_185 : i32
      %sign3A = arith.constant 0 : i32
      %sign3A_186 = arith.cmpi sgt, %add3A_184, %sign3A : i32
      %sign3A_187 = arith.extui %sign3A_186 : i1 to i32
      %sign3A_188 = arith.constant 0 : i32
      %sign3A_189 = arith.cmpi slt, %add3A_184, %sign3A_188 : i32
      %sign3A_190 = arith.extui %sign3A_189 : i1 to i32
      %sign3A_191 = arith.subi %sign3A_187, %sign3A_190 : i32
      %sign3A_192 = arith.constant 0 : i32
      %sign3A_193 = arith.cmpi sgt, %jit3A_185, %sign3A_192 : i32
      %sign3A_194 = arith.extui %sign3A_193 : i1 to i32
      %sign3A_195 = arith.constant 0 : i32
      %sign3A_196 = arith.cmpi slt, %jit3A_185, %sign3A_195 : i32
      %sign3A_197 = arith.extui %sign3A_196 : i1 to i32
      %sign3A_198 = arith.subi %sign3A_194, %sign3A_197 : i32
      %ne3A = arith.cmpi ne, %sign3A_191, %sign3A_198 : i32
      %rem3A = arith.remsi %add3A_184, %jit3A_185 : i32
      %ne3A_199 = arith.constant 0 : i32
      %ne3A_200 = arith.cmpi ne, %rem3A, %ne3A_199 : i32
      %and3A_201 = arith.andi %ne3A, %ne3A_200 : i1
      %sub3A_202 = arith.constant 1 : i32
      %sub3A_203 = arith.subi %div3A, %sub3A_202 : i32
      %select_n3A_204 = arith.select %and3A_201, %sub3A_203, %div3A : i32
      %le3A_205 = vector.broadcast %select_n3A_204 : i32 to vector<162x128xi32>
      %le3A_206 = arith.cmpi sle, %add3A_112, %le3A_205 : vector<162x128xi32>
      %and3A_207 = arith.andi %eq3A_107, %le3A_206 : vector<162x128xi1>
      %jit3A_208 = arith.constant 1 : i32
      %jit3A_209 = arith.constant 0 : i32
      %broadcast_in_dim3A_210 = vector.broadcast %jit3A_208 : i32 to vector<162x128xi32>
      %broadcast_in_dim3A_211 = vector.broadcast %jit3A_209 : i32 to vector<162x128xi32>
      %select_n3A_212 = arith.select %and3A_207, %broadcast_in_dim3A_210, %broadcast_in_dim3A_211 : vector<162x128xi1>, vector<162x128xi32>
      %reduce_sum3A_213 = vector.shape_cast %select_n3A_212 : vector<162x128xi32> to vector<1x162x128xi32>
      %reduce_sum3A_214 = arith.constant dense<0> : vector<1xi32>
      %reduce_sum3A_215 = vector.multi_reduction <add>, %reduce_sum3A_213, %reduce_sum3A_214 [1, 2] : vector<1x162x128xi32> to vector<1xi32>
      %reduce_sum3A_216 = vector.shape_cast %reduce_sum3A_215 : vector<1xi32> to vector<1x1x1xi32>
      %reduce_sum3A_217 = vector.extract %reduce_sum3A_216[0, 0, 0] : i32 from vector<1x1x1xi32>
      %add3A_218 = arith.addi %reduce_sum3A_106, %reduce_sum3A_217 : i32
      %ge3A_219 = arith.constant 6000 : i32
      %ge3A_220 = arith.cmpi sge, %add3A_218, %ge3A_219 : i32
      %select_n3A_221 = arith.select %ge3A_220, %scan3A_182, %select_n3A_204 : i32
      %select_n3A_222 = arith.select %ge3A_220, %select_n3A_204, %scan3A_183 : i32
      scf.yield %select_n3A_221, %select_n3A_222 : i32, i32
    }
    %gt3A_120 = vector.broadcast %scan3A_98#1 : i32 to vector<162x128xi32>
    %gt3A_121 = arith.cmpi sgt, %xor3A, %gt3A_120 : vector<162x128xi32>
    %le3A = vector.broadcast %scan3A_119#1 : i32 to vector<162x128xi32>
    %le3A_122 = arith.cmpi sle, %add3A_112, %le3A : vector<162x128xi32>
    %and3A_123 = arith.andi %eq3A_107, %le3A_122 : vector<162x128xi1>
    %or3A = arith.ori %gt3A_121, %and3A_123 : vector<162x128xi1>
    %and3A_124 = arith.andi %or3A, %and3A : vector<162x128xi1>
    %jit3A_125 = arith.constant 1.000000e+00 : f32
    %jit3A_126 = arith.constant 0.000000e+00 : f32
    %broadcast_in_dim3A_127 = vector.broadcast %jit3A_125 : f32 to vector<162x128xf32>
    %broadcast_in_dim3A_128 = vector.broadcast %jit3A_126 : f32 to vector<162x128xf32>
    %select_n3A_129 = arith.select %and3A_124, %broadcast_in_dim3A_127, %broadcast_in_dim3A_128 : vector<162x128xi1>, vector<162x128xf32>
    %iota3A_130 = tpu.iota {dimensions = array<i32: 0>} : vector<128x128xi32>
    %iota3A_131 = tpu.iota {dimensions = array<i32: 1>} : vector<128x128xi32>
    %le3A_132 = arith.cmpi sle, %iota3A_130, %iota3A_131 : vector<128x128xi32>
    %jit3A_133 = arith.constant 1.000000e+00 : f32
    %jit3A_134 = arith.constant 0.000000e+00 : f32
    %broadcast_in_dim3A_135 = vector.broadcast %jit3A_133 : f32 to vector<128x128xf32>
    %broadcast_in_dim3A_136 = vector.broadcast %jit3A_134 : f32 to vector<128x128xf32>
    %select_n3A_137 = arith.select %le3A_132, %broadcast_in_dim3A_135, %broadcast_in_dim3A_136 : vector<128x128xi1>, vector<128x128xf32>
    %dot_general3A = arith.constant dense<0.000000e+00> : vector<162x128xf32>
    %dot_general3A_138 = tpu.matmul %select_n3A_129, %select_n3A_137, %dot_general3A {dimension_numbers = #tpu.dot_dimension_numbers<[1], [0], [0], [1], [0, 0, 1, 1], [], []>, transpose_lhs_hint = false} : vector<162x128xf32>, vector<128x128xf32>, vector<162x128xf32> -> vector<162x128xf32>
    %slice3A = vector.extract_strided_slice %dot_general3A_138 {offsets = [0, 127], sizes = [162, 1], strides = [1, 1]} : vector<162x128xf32> to vector<162x1xf32>
    %iota3A_139 = tpu.iota {dimensions = array<i32: 0>} : vector<162x162xi32>
    %iota3A_140 = tpu.iota {dimensions = array<i32: 1>} : vector<162x162xi32>
    %lt3A = arith.cmpi slt, %iota3A_140, %iota3A_139 : vector<162x162xi32>
    %jit3A_141 = arith.constant 1.000000e+00 : f32
    %jit3A_142 = arith.constant 0.000000e+00 : f32
    %broadcast_in_dim3A_143 = vector.broadcast %jit3A_141 : f32 to vector<162x162xf32>
    %broadcast_in_dim3A_144 = vector.broadcast %jit3A_142 : f32 to vector<162x162xf32>
    %select_n3A_145 = arith.select %lt3A, %broadcast_in_dim3A_143, %broadcast_in_dim3A_144 : vector<162x162xi1>, vector<162x162xf32>
    %dot_general3A_146 = arith.constant dense<0.000000e+00> : vector<162x1xf32>
    %dot_general3A_147 = tpu.matmul %select_n3A_145, %slice3A, %dot_general3A_146 {dimension_numbers = #tpu.dot_dimension_numbers<[1], [0], [0], [1], [0, 0, 1, 1], [], []>, transpose_lhs_hint = false} : vector<162x162xf32>, vector<162x1xf32>, vector<162x1xf32> -> vector<162x1xf32>
    %add3A_148 = vector.broadcast %dot_general3A_147 : vector<162x1xf32> to vector<162x128xf32>
    %add3A_149 = arith.addf %add3A_148, %dot_general3A_138 : vector<162x128xf32>
    %sub3A_150 = arith.constant 1.000000e+00 : f32
    %sub3A_151 = vector.broadcast %sub3A_150 : f32 to vector<162x128xf32>
    %sub3A_152 = arith.subf %add3A_149, %sub3A_151 : vector<162x128xf32>
    %gt3A_153 = arith.constant 0.000000e+00 : f32
    %gt3A_154 = vector.broadcast %gt3A_153 : f32 to vector<162x128xf32>
    %gt3A_155 = arith.cmpf ogt, %select_n3A_129, %gt3A_154 : vector<162x128xf32>
    %convert_element_type3A = arith.fptosi %sub3A_152 : vector<162x128xf32> to vector<162x128xi32>
    %jit3A_156 = arith.constant 6144 : i32
    %broadcast_in_dim3A_157 = vector.broadcast %jit3A_156 : i32 to vector<162x128xi32>
    %select_n3A_158 = arith.select %gt3A_155, %convert_element_type3A, %broadcast_in_dim3A_157 : vector<162x128xi1>, vector<162x128xi32>
    %swap3A = arith.constant 0 : index
    %swap3A_159 = arith.constant 0 : index
    %swap3A_160 = vector.load %arg9[%swap3A, %swap3A_159] : memref<162x128xf32, #tpu.memory_space<vmem>>, vector<162x128xf32>
    tpu.vector_store %arg9[%swap3A, %swap3A_159], %min3A_42 {strides = array<i32>} : memref<162x128xf32, #tpu.memory_space<vmem>>, vector<162x128xf32>,
    %swap3A_161 = arith.constant 0 : index
    %swap3A_162 = arith.constant 0 : index
    %swap3A_163 = vector.load %arg10[%swap3A_161, %swap3A_162] : memref<162x128xf32, #tpu.memory_space<vmem>>, vector<162x128xf32>
    tpu.vector_store %arg10[%swap3A_161, %swap3A_162], %min3A_52 {strides = array<i32>} : memref<162x128xf32, #tpu.memory_space<vmem>>, vector<162x128xf32>,
    %swap3A_164 = arith.constant 0 : index
    %swap3A_165 = arith.constant 0 : index
    %swap3A_166 = vector.load %arg11[%swap3A_164, %swap3A_165] : memref<162x128xf32, #tpu.memory_space<vmem>>, vector<162x128xf32>
    tpu.vector_store %arg11[%swap3A_164, %swap3A_165], %min3A_62 {strides = array<i32>} : memref<162x128xf32, #tpu.memory_space<vmem>>, vector<162x128xf32>,
    %swap3A_167 = arith.constant 0 : index
    %swap3A_168 = arith.constant 0 : index
    %swap3A_169 = vector.load %arg12[%swap3A_167, %swap3A_168] : memref<162x128xf32, #tpu.memory_space<vmem>>, vector<162x128xf32>
    tpu.vector_store %arg12[%swap3A_167, %swap3A_168], %min3A_72 {strides = array<i32>} : memref<162x128xf32, #tpu.memory_space<vmem>>, vector<162x128xf32>,
    %logistic3A = arith.negf %get3A_1 : vector<162x128xf32>
    %logistic3A_170 = math.exp %logistic3A : vector<162x128xf32>
    %logistic3A_171 = arith.constant 1.000000e+00 : f32
    %logistic3A_172 = vector.broadcast %logistic3A_171 : f32 to vector<162x128xf32>
    %logistic3A_173 = arith.addf %logistic3A_172, %logistic3A_170 : vector<162x128xf32>
    %logistic3A_174 = arith.divf %logistic3A_172, %logistic3A_173 : vector<162x128xf32>
    %swap3A_175 = arith.constant 0 : index
    %swap3A_176 = arith.constant 0 : index
    %swap3A_177 = vector.load %arg13[%swap3A_175, %swap3A_176] : memref<162x128xf32, #tpu.memory_space<vmem>>, vector<162x128xf32>
    tpu.vector_store %arg13[%swap3A_175, %swap3A_176], %logistic3A_174 {strides = array<i32>} : memref<162x128xf32, #tpu.memory_space<vmem>>, vector<162x128xf32>,
    %swap3A_178 = arith.constant 0 : index
    %swap3A_179 = arith.constant 0 : index
    %swap3A_180 = vector.load %arg14[%swap3A_178, %swap3A_179] : memref<162x128xi32, #tpu.memory_space<vmem>>, vector<162x128xi32>
    tpu.vector_store %arg14[%swap3A_178, %swap3A_179], %select_n3A_158 {strides = array<i32>} : memref<162x128xi32, #tpu.memory_space<vmem>>, vector<162x128xi32>,
    return
  }
}

module attributes {stable_mosaic.version = 14 : i64} {
  func.func @_nms_kernel(%arg0: memref<48x128xf32, #tpu.memory_space<vmem>>, %arg1: memref<48x128xi32, #tpu.memory_space<vmem>>, %arg2: memref<48x128xf32, #tpu.memory_space<vmem>>, %arg3: memref<48x128xf32, #tpu.memory_space<vmem>>, %arg4: memref<48x128xf32, #tpu.memory_space<vmem>>, %arg5: memref<48x128xf32, #tpu.memory_space<vmem>>, %arg6: memref<1000x128xf32, #tpu.memory_space<vmem>>, %arg7: memref<1000x128xf32, #tpu.memory_space<vmem>>, %arg8: memref<1000x128xf32, #tpu.memory_space<vmem>>, %arg9: memref<1000x128xf32, #tpu.memory_space<vmem>>, %arg10: memref<1000x128xf32, #tpu.memory_space<vmem>>, %arg11: memref<48x128xf32, #tpu.memory_space<vmem>>, %arg12: memref<48x128xf32, #tpu.memory_space<vmem>>, %arg13: memref<48x128xf32, #tpu.memory_space<vmem>>, %arg14: memref<48x128xf32, #tpu.memory_space<vmem>>) attributes {dimension_semantics = [], scalar_prefetch = 0 : i64, scratch_operands = 4 : i64, tpu.core_type = #tpu.core_type<tc>} {
    %get3A = arith.constant 0 : index
    %get3A_0 = arith.constant 0 : index
    %get3A_1 = vector.load %arg2[%get3A, %get3A_0] : memref<48x128xf32, #tpu.memory_space<vmem>>, vector<48x128xf32>
    %get3A_2 = arith.constant 0 : index
    %get3A_3 = arith.constant 0 : index
    %get3A_4 = vector.load %arg3[%get3A_2, %get3A_3] : memref<48x128xf32, #tpu.memory_space<vmem>>, vector<48x128xf32>
    %get3A_5 = arith.constant 0 : index
    %get3A_6 = arith.constant 0 : index
    %get3A_7 = vector.load %arg4[%get3A_5, %get3A_6] : memref<48x128xf32, #tpu.memory_space<vmem>>, vector<48x128xf32>
    %get3A_8 = arith.constant 0 : index
    %get3A_9 = arith.constant 0 : index
    %get3A_10 = vector.load %arg5[%get3A_8, %get3A_9] : memref<48x128xf32, #tpu.memory_space<vmem>>, vector<48x128xf32>
    %sub3A = arith.subf %get3A_7, %get3A_1 : vector<48x128xf32>
    %sub3A_11 = arith.subf %get3A_10, %get3A_4 : vector<48x128xf32>
    %mul3A = arith.mulf %sub3A, %sub3A_11 : vector<48x128xf32>
    %get3A_12 = arith.constant 0 : index
    %get3A_13 = arith.constant 0 : index
    %get3A_14 = vector.load %arg1[%get3A_12, %get3A_13] : memref<48x128xi32, #tpu.memory_space<vmem>>, vector<48x128xi32>
    %ne3A = arith.constant 0 : i32
    %ne3A_15 = vector.broadcast %ne3A : i32 to vector<48x128xi32>
    %ne3A_16 = arith.cmpi ne, %get3A_14, %ne3A_15 : vector<48x128xi32>
    %get3A_17 = arith.constant 0 : index
    %get3A_18 = arith.constant 0 : index
    %get3A_19 = vector.load %arg0[%get3A_17, %get3A_18] : memref<48x128xf32, #tpu.memory_space<vmem>>, vector<48x128xf32>
    %jit3A = arith.constant 0xFF800000 : f32
    %broadcast_in_dim3A = vector.broadcast %jit3A : f32 to vector<48x128xf32>
    %select_n3A = arith.select %ne3A_16, %get3A_19, %broadcast_in_dim3A : vector<48x128xi1>, vector<48x128xf32>
    %swap3A = arith.constant 0 : index
    %swap3A_20 = arith.constant 0 : index
    %swap3A_21 = vector.load %arg11[%swap3A, %swap3A_20] : memref<48x128xf32, #tpu.memory_space<vmem>>, vector<48x128xf32>
    tpu.vector_store %arg11[%swap3A, %swap3A_20], %get3A_1 {strides = array<i32>} : memref<48x128xf32, #tpu.memory_space<vmem>>, vector<48x128xf32>,
    %swap3A_22 = arith.constant 0 : index
    %swap3A_23 = arith.constant 0 : index
    %swap3A_24 = vector.load %arg12[%swap3A_22, %swap3A_23] : memref<48x128xf32, #tpu.memory_space<vmem>>, vector<48x128xf32>
    tpu.vector_store %arg12[%swap3A_22, %swap3A_23], %get3A_4 {strides = array<i32>} : memref<48x128xf32, #tpu.memory_space<vmem>>, vector<48x128xf32>,
    %swap3A_25 = arith.constant 0 : index
    %swap3A_26 = arith.constant 0 : index
    %swap3A_27 = vector.load %arg13[%swap3A_25, %swap3A_26] : memref<48x128xf32, #tpu.memory_space<vmem>>, vector<48x128xf32>
    tpu.vector_store %arg13[%swap3A_25, %swap3A_26], %get3A_7 {strides = array<i32>} : memref<48x128xf32, #tpu.memory_space<vmem>>, vector<48x128xf32>,
    %swap3A_28 = arith.constant 0 : index
    %swap3A_29 = arith.constant 0 : index
    %swap3A_30 = vector.load %arg14[%swap3A_28, %swap3A_29] : memref<48x128xf32, #tpu.memory_space<vmem>>, vector<48x128xf32>
    tpu.vector_store %arg14[%swap3A_28, %swap3A_29], %get3A_10 {strides = array<i32>} : memref<48x128xf32, #tpu.memory_space<vmem>>, vector<48x128xf32>,
    %iota3A = tpu.iota {dimensions = array<i32: 0>} : vector<48x128xi32>
    %iota3A_31 = tpu.iota {dimensions = array<i32: 1>} : vector<48x128xi32>
    %mul3A_32 = arith.constant 128 : i32
    %mul3A_33 = vector.broadcast %mul3A_32 : i32 to vector<48x128xi32>
    %mul3A_34 = arith.muli %iota3A, %mul3A_33 : vector<48x128xi32>
    %add3A = arith.addi %mul3A_34, %iota3A_31 : vector<48x128xi32>
    %iota3A_35 = tpu.iota {dimensions = array<i32: 1>} : vector<1x128xi32>
    %scan3A = arith.constant 0xFF800000 : f32
    %scan3A_36 = arith.constant 1073741824 : i32
    %scan3A_37 = arith.constant 0 : i32
    %scan3A_38 = arith.constant 1000 : i32
    %scan3A_39 = arith.addi %scan3A_37, %scan3A_38 : i32
    %scan3A_40 = arith.constant 1 : i32
    %scan3A_41 = scf.for %scan3A_43 = %scan3A_37 to %scan3A_39 step %scan3A_40 iter_args(%scan3A_44 = %select_n3A) -> (vector<48x128xf32>)  : i32 {
      %reduce_max3A = vector.shape_cast %scan3A_44 : vector<48x128xf32> to vector<1x48x128xf32>
      %reduce_max3A_45 = arith.constant dense<0xFF800000> : vector<1xf32>
      %reduce_max3A_46 = vector.multi_reduction <maximumf>, %reduce_max3A, %reduce_max3A_45 [1, 2] : vector<1x48x128xf32> to vector<1xf32>
      %reduce_max3A_47 = vector.shape_cast %reduce_max3A_46 : vector<1xf32> to vector<1x1x1xf32>
      %reduce_max3A_48 = vector.extract %reduce_max3A_47[0, 0, 0] : f32 from vector<1x1x1xf32>
      %gt3A = arith.cmpf ogt, %reduce_max3A_48, %scan3A : f32
      %eq3A = vector.broadcast %reduce_max3A_48 : f32 to vector<48x128xf32>
      %eq3A_49 = arith.cmpf oeq, %scan3A_44, %eq3A : vector<48x128xf32>
      %broadcast_in_dim3A_50 = vector.broadcast %scan3A_36 : i32 to vector<48x128xi32>
      %select_n3A_51 = arith.select %eq3A_49, %add3A, %broadcast_in_dim3A_50 : vector<48x128xi1>, vector<48x128xi32>
      %reduce_min3A = vector.shape_cast %select_n3A_51 : vector<48x128xi32> to vector<1x48x128xi32>
      %reduce_min3A_52 = arith.constant dense<2147483647> : vector<1xi32>
      %reduce_min3A_53 = vector.multi_reduction <minsi>, %reduce_min3A, %reduce_min3A_52 [1, 2] : vector<1x48x128xi32> to vector<1xi32>
      %reduce_min3A_54 = vector.shape_cast %reduce_min3A_53 : vector<1xi32> to vector<1x1x1xi32>
      %reduce_min3A_55 = vector.extract %reduce_min3A_54[0, 0, 0] : i32 from vector<1x1x1xi32>
      %jit3A_56 = arith.constant 128 : i32
      %div3A = arith.divsi %reduce_min3A_55, %jit3A_56 : i32
      %sign3A = arith.constant 0 : i32
      %sign3A_57 = arith.cmpi sgt, %reduce_min3A_55, %sign3A : i32
      %sign3A_58 = arith.extui %sign3A_57 : i1 to i32
      %sign3A_59 = arith.constant 0 : i32
      %sign3A_60 = arith.cmpi slt, %reduce_min3A_55, %sign3A_59 : i32
      %sign3A_61 = arith.extui %sign3A_60 : i1 to i32
      %sign3A_62 = arith.subi %sign3A_58, %sign3A_61 : i32
      %sign3A_63 = arith.constant 0 : i32
      %sign3A_64 = arith.cmpi sgt, %jit3A_56, %sign3A_63 : i32
      %sign3A_65 = arith.extui %sign3A_64 : i1 to i32
      %sign3A_66 = arith.constant 0 : i32
      %sign3A_67 = arith.cmpi slt, %jit3A_56, %sign3A_66 : i32
      %sign3A_68 = arith.extui %sign3A_67 : i1 to i32
      %sign3A_69 = arith.subi %sign3A_65, %sign3A_68 : i32
      %ne3A_70 = arith.cmpi ne, %sign3A_62, %sign3A_69 : i32
      %rem3A = arith.remsi %reduce_min3A_55, %jit3A_56 : i32
      %ne3A_71 = arith.constant 0 : i32
      %ne3A_72 = arith.cmpi ne, %rem3A, %ne3A_71 : i32
      %and3A = arith.andi %ne3A_70, %ne3A_72 : i1
      %sub3A_73 = arith.constant 1 : i32
      %sub3A_74 = arith.subi %div3A, %sub3A_73 : i32
      %select_n3A_75 = arith.select %and3A, %sub3A_74, %div3A : i32
      %mul3A_76 = arith.constant 128 : i32
      %mul3A_77 = arith.muli %select_n3A_75, %mul3A_76 : i32
      %sub3A_78 = arith.subi %reduce_min3A_55, %mul3A_77 : i32
      %eq3A_79 = vector.broadcast %sub3A_78 : i32 to vector<1x128xi32>
      %eq3A_80 = arith.cmpi eq, %iota3A_35, %eq3A_79 : vector<1x128xi32>
      %convert_element_type3A = arith.extui %eq3A_80 : vector<1x128xi1> to vector<1x128xi32>
      %convert_element_type3A_81 = arith.sitofp %convert_element_type3A : vector<1x128xi32> to vector<1x128xf32>
      %get3A_82 = arith.index_cast %select_n3A_75 : i32 to index
      %get3A_83 = arith.constant 0 : index
      %get3A_84 = vector.load %arg11[%get3A_82, %get3A_83] : memref<48x128xf32, #tpu.memory_space<vmem>>, vector<1x128xf32>
      %mul3A_85 = arith.mulf %get3A_84, %convert_element_type3A_81 : vector<1x128xf32>
      %reduce_sum3A = vector.shape_cast %mul3A_85 : vector<1x128xf32> to vector<1x1x128xf32>
      %reduce_sum3A_86 = arith.constant dense<0.000000e+00> : vector<1xf32>
      %reduce_sum3A_87 = vector.multi_reduction <add>, %reduce_sum3A, %reduce_sum3A_86 [1, 2] : vector<1x1x128xf32> to vector<1xf32>
      %reduce_sum3A_88 = vector.shape_cast %reduce_sum3A_87 : vector<1xf32> to vector<1x1x1xf32>
      %reduce_sum3A_89 = vector.extract %reduce_sum3A_88[0, 0, 0] : f32 from vector<1x1x1xf32>
      %get3A_90 = arith.index_cast %select_n3A_75 : i32 to index
      %get3A_91 = arith.constant 0 : index
      %get3A_92 = vector.load %arg12[%get3A_90, %get3A_91] : memref<48x128xf32, #tpu.memory_space<vmem>>, vector<1x128xf32>
      %mul3A_93 = arith.mulf %get3A_92, %convert_element_type3A_81 : vector<1x128xf32>
      %reduce_sum3A_94 = vector.shape_cast %mul3A_93 : vector<1x128xf32> to vector<1x1x128xf32>
      %reduce_sum3A_95 = arith.constant dense<0.000000e+00> : vector<1xf32>
      %reduce_sum3A_96 = vector.multi_reduction <add>, %reduce_sum3A_94, %reduce_sum3A_95 [1, 2] : vector<1x1x128xf32> to vector<1xf32>
      %reduce_sum3A_97 = vector.shape_cast %reduce_sum3A_96 : vector<1xf32> to vector<1x1x1xf32>
      %reduce_sum3A_98 = vector.extract %reduce_sum3A_97[0, 0, 0] : f32 from vector<1x1x1xf32>
      %get3A_99 = arith.index_cast %select_n3A_75 : i32 to index
      %get3A_100 = arith.constant 0 : index
      %get3A_101 = vector.load %arg13[%get3A_99, %get3A_100] : memref<48x128xf32, #tpu.memory_space<vmem>>, vector<1x128xf32>
      %mul3A_102 = arith.mulf %get3A_101, %convert_element_type3A_81 : vector<1x128xf32>
      %reduce_sum3A_103 = vector.shape_cast %mul3A_102 : vector<1x128xf32> to vector<1x1x128xf32>
      %reduce_sum3A_104 = arith.constant dense<0.000000e+00> : vector<1xf32>
      %reduce_sum3A_105 = vector.multi_reduction <add>, %reduce_sum3A_103, %reduce_sum3A_104 [1, 2] : vector<1x1x128xf32> to vector<1xf32>
      %reduce_sum3A_106 = vector.shape_cast %reduce_sum3A_105 : vector<1xf32> to vector<1x1x1xf32>
      %reduce_sum3A_107 = vector.extract %reduce_sum3A_106[0, 0, 0] : f32 from vector<1x1x1xf32>
      %get3A_108 = arith.index_cast %select_n3A_75 : i32 to index
      %get3A_109 = arith.constant 0 : index
      %get3A_110 = vector.load %arg14[%get3A_108, %get3A_109] : memref<48x128xf32, #tpu.memory_space<vmem>>, vector<1x128xf32>
      %mul3A_111 = arith.mulf %get3A_110, %convert_element_type3A_81 : vector<1x128xf32>
      %reduce_sum3A_112 = vector.shape_cast %mul3A_111 : vector<1x128xf32> to vector<1x1x128xf32>
      %reduce_sum3A_113 = arith.constant dense<0.000000e+00> : vector<1xf32>
      %reduce_sum3A_114 = vector.multi_reduction <add>, %reduce_sum3A_112, %reduce_sum3A_113 [1, 2] : vector<1x1x128xf32> to vector<1xf32>
      %reduce_sum3A_115 = vector.shape_cast %reduce_sum3A_114 : vector<1xf32> to vector<1x1x1xf32>
      %reduce_sum3A_116 = vector.extract %reduce_sum3A_115[0, 0, 0] : f32 from vector<1x1x1xf32>
      %sub3A_117 = arith.subf %reduce_sum3A_107, %reduce_sum3A_89 : f32
      %sub3A_118 = arith.subf %reduce_sum3A_116, %reduce_sum3A_98 : f32
      %mul3A_119 = arith.mulf %sub3A_117, %sub3A_118 : f32
      %min3A = vector.broadcast %reduce_sum3A_107 : f32 to vector<48x128xf32>
      %min3A_120 = arith.minimumf %min3A, %get3A_7 : vector<48x128xf32>
      %max3A = vector.broadcast %reduce_sum3A_89 : f32 to vector<48x128xf32>
      %max3A_121 = arith.maximumf %max3A, %get3A_1 : vector<48x128xf32>
      %sub3A_122 = arith.subf %min3A_120, %max3A_121 : vector<48x128xf32>
      %max3A_123 = arith.constant 0.000000e+00 : f32
      %max3A_124 = vector.broadcast %max3A_123 : f32 to vector<48x128xf32>
      %max3A_125 = arith.maximumf %sub3A_122, %max3A_124 : vector<48x128xf32>
      %min3A_126 = vector.broadcast %reduce_sum3A_116 : f32 to vector<48x128xf32>
      %min3A_127 = arith.minimumf %min3A_126, %get3A_10 : vector<48x128xf32>
      %max3A_128 = vector.broadcast %reduce_sum3A_98 : f32 to vector<48x128xf32>
      %max3A_129 = arith.maximumf %max3A_128, %get3A_4 : vector<48x128xf32>
      %sub3A_130 = arith.subf %min3A_127, %max3A_129 : vector<48x128xf32>
      %max3A_131 = arith.constant 0.000000e+00 : f32
      %max3A_132 = vector.broadcast %max3A_131 : f32 to vector<48x128xf32>
      %max3A_133 = arith.maximumf %sub3A_130, %max3A_132 : vector<48x128xf32>
      %mul3A_134 = arith.mulf %max3A_125, %max3A_133 : vector<48x128xf32>
      %add3A_135 = vector.broadcast %mul3A_119 : f32 to vector<48x128xf32>
      %add3A_136 = arith.addf %add3A_135, %mul3A : vector<48x128xf32>
      %sub3A_137 = arith.subf %add3A_136, %mul3A_134 : vector<48x128xf32>
      %add3A_138 = arith.constant 9.99999971E-10 : f32
      %add3A_139 = vector.broadcast %add3A_138 : f32 to vector<48x128xf32>
      %add3A_140 = arith.addf %sub3A_137, %add3A_139 : vector<48x128xf32>
      %mul3A_141 = arith.constant 0.699999988 : f32
      %mul3A_142 = vector.broadcast %mul3A_141 : f32 to vector<48x128xf32>
      %mul3A_143 = arith.mulf %mul3A_142, %add3A_140 : vector<48x128xf32>
      %gt3A_144 = arith.cmpf ogt, %mul3A_134, %mul3A_143 : vector<48x128xf32>
      %broadcast_in_dim3A_145 = vector.broadcast %scan3A : f32 to vector<48x128xf32>
      %select_n3A_146 = arith.select %gt3A_144, %broadcast_in_dim3A_145, %scan3A_44 : vector<48x128xi1>, vector<48x128xf32>
      %broadcast_in_dim3A_147 = arith.constant 0.000000e+00 : f32
      %broadcast_in_dim3A_148 = vector.broadcast %broadcast_in_dim3A_147 : f32 to vector<1x128xf32>
      %jit3A_149 = arith.constant 1.000000e+00 : f32
      %jit3A_150 = arith.constant 0.000000e+00 : f32
      %select_n3A_151 = arith.select %gt3A, %jit3A_149, %jit3A_150 : f32
      %mul3A_152 = arith.mulf %reduce_sum3A_89, %select_n3A_151 : f32
      %add3A_153 = vector.broadcast %mul3A_152 : f32 to vector<1x128xf32>
      %add3A_154 = arith.addf %broadcast_in_dim3A_148, %add3A_153 : vector<1x128xf32>
      %swap3A_155 = arith.index_cast %scan3A_43 : i32 to index
      %swap3A_156 = arith.constant 0 : index
      %swap3A_157 = vector.load %arg6[%swap3A_155, %swap3A_156] : memref<1000x128xf32, #tpu.memory_space<vmem>>, vector<1x128xf32>
      tpu.vector_store %arg6[%swap3A_155, %swap3A_156], %add3A_154 {strides = array<i32>} : memref<1000x128xf32, #tpu.memory_space<vmem>>, vector<1x128xf32>,
      %mul3A_158 = arith.mulf %reduce_sum3A_98, %select_n3A_151 : f32
      %add3A_159 = vector.broadcast %mul3A_158 : f32 to vector<1x128xf32>
      %add3A_160 = arith.addf %broadcast_in_dim3A_148, %add3A_159 : vector<1x128xf32>
      %swap3A_161 = arith.index_cast %scan3A_43 : i32 to index
      %swap3A_162 = arith.constant 0 : index
      %swap3A_163 = vector.load %arg7[%swap3A_161, %swap3A_162] : memref<1000x128xf32, #tpu.memory_space<vmem>>, vector<1x128xf32>
      tpu.vector_store %arg7[%swap3A_161, %swap3A_162], %add3A_160 {strides = array<i32>} : memref<1000x128xf32, #tpu.memory_space<vmem>>, vector<1x128xf32>,
      %mul3A_164 = arith.mulf %reduce_sum3A_107, %select_n3A_151 : f32
      %add3A_165 = vector.broadcast %mul3A_164 : f32 to vector<1x128xf32>
      %add3A_166 = arith.addf %broadcast_in_dim3A_148, %add3A_165 : vector<1x128xf32>
      %swap3A_167 = arith.index_cast %scan3A_43 : i32 to index
      %swap3A_168 = arith.constant 0 : index
      %swap3A_169 = vector.load %arg8[%swap3A_167, %swap3A_168] : memref<1000x128xf32, #tpu.memory_space<vmem>>, vector<1x128xf32>
      tpu.vector_store %arg8[%swap3A_167, %swap3A_168], %add3A_166 {strides = array<i32>} : memref<1000x128xf32, #tpu.memory_space<vmem>>, vector<1x128xf32>,
      %mul3A_170 = arith.mulf %reduce_sum3A_116, %select_n3A_151 : f32
      %add3A_171 = vector.broadcast %mul3A_170 : f32 to vector<1x128xf32>
      %add3A_172 = arith.addf %broadcast_in_dim3A_148, %add3A_171 : vector<1x128xf32>
      %swap3A_173 = arith.index_cast %scan3A_43 : i32 to index
      %swap3A_174 = arith.constant 0 : index
      %swap3A_175 = vector.load %arg9[%swap3A_173, %swap3A_174] : memref<1000x128xf32, #tpu.memory_space<vmem>>, vector<1x128xf32>
      tpu.vector_store %arg9[%swap3A_173, %swap3A_174], %add3A_172 {strides = array<i32>} : memref<1000x128xf32, #tpu.memory_space<vmem>>, vector<1x128xf32>,
      %jit3A_176 = arith.constant 0.000000e+00 : f32
      %select_n3A_177 = arith.select %gt3A, %reduce_max3A_48, %jit3A_176 : f32
      %add3A_178 = vector.broadcast %select_n3A_177 : f32 to vector<1x128xf32>
      %add3A_179 = arith.addf %broadcast_in_dim3A_148, %add3A_178 : vector<1x128xf32>
      %swap3A_180 = arith.index_cast %scan3A_43 : i32 to index
      %swap3A_181 = arith.constant 0 : index
      %swap3A_182 = vector.load %arg10[%swap3A_180, %swap3A_181] : memref<1000x128xf32, #tpu.memory_space<vmem>>, vector<1x128xf32>
      tpu.vector_store %arg10[%swap3A_180, %swap3A_181], %add3A_179 {strides = array<i32>} : memref<1000x128xf32, #tpu.memory_space<vmem>>, vector<1x128xf32>,
      scf.yield %select_n3A_146 : vector<48x128xf32>
    }
    %scan3A_42 = arith.constant 1000 : i32
    return
  }
}

</mosaic_0001>

<sc_bundles>
// kernel: kernel.6.cloned.1.call-start
scs
__scs_entry_jumppad:
0x0: {  	(pc) =	sbr.rel $0x88, $3  }
0x1: {  	(tag) =	ssettag $0x0;
	lr =	simm.s32 $0x1  }
0x2: {  	[smem:$0x3F9A] =	sst lr;
	_ =	strace $0xD0000000  }
0x3: {  	_ = 	snop  }
0x4: {  	_ = 	snop  }
0x5: {  	_ = 	snop  }
0x6: {  	_ = 	snop  }
0x7: {  	_ = 	snop  }
__scs_overlays_trampoline_lowered:
0x8: {  	[smem:$0x3FA9] =	sst s0  }
0x9: {  	[smem:$0x3FAA] =	sst s1  }
0xa: {  	[smem:$0x3FAB] =	sst s2  }
0xb: {  	[smem:$0x3FAC] =	sst s3  }
0xc: {  	[smem:$0x3FAD] =	sst s4  }
0xd: {  	[smem:$0x3FAE] =	sst s5  }
0xe: {  	[smem:$0x3FAF] =	sst s6  }
0xf: {  	[smem:$0x3FB0] =	sst s7  }
0x10: {  	[smem:$0x3FB1] =	sst s8  }
0x11: {  	[smem:$0x3FB2] =	sst s9;
	s0 =	simm.s32 @!p0 $0x0  }
0x12: {  	s1 =	sld [smem:$0x3F98];
	s0 =	simm.s32 @p0 $0x1  }
0x13: {  	[smem:$0x3FB3] =	sst s0;
	s0 =	simm.s32 @!p1 $0x0  }
0x14: {  	s2 =	sld [smem:$0x3F97];
	s0 =	simm.s32 @p1 $0x1  }
0x15: {  	[smem:$0x3FB4] =	sst s0;
	s0 =	simm.s32 @!p2 $0x0  }
0x16: {  	s3 =	sld [smem:$0x3FDB];
	s0 =	simm.s32 @p2 $0x1  }
0x17: {  	s4 =	simm.s32 $0x1BF5;
	[smem:$0x3FB6] =	sst s0  }
0x18: {  	s0 =	sld [smem:$0x3F99];
	_ =	swait.ge [sflag:s4], $0x0  }
0x19: {  	s7 =	sld [smem:$0x3F9A]  }
0x1a: {  	s8 =	sadd.s32 $0xFFFFE003, lr  }
0x1b: {  	s9 =	sadd.s32 $0xFFFFFEF7, lr;
	s5 =	simm.s32 $0xFFFFFFFF;
	p2 =	slt.u32 s8, $0xFFFFF086  }
0x1c: {  	p1 =	slt.u32 s9, $0xF7A;
	s5 =	simm.s32 @!p2 $0x0  }
0x1d: {  	s5 =	simm.s32 @p1 $0x1;
	p0 =	seq.s32 s7, s2  }
0x1e: {  	s7 =	smul.u32 @!p0 $0xF7A, s2;
	p2 =	seq.s32 @!p0 s5, $0x0  }
0x1f: {  	s9 =	smul.u32 $0xF7A, s1;
	s8 =	simm.s32 @!p0 $0x1BF5;
	p2 =	por !p2, p0  }
0x20: {  	[sflag:s8] =	ssyncset.s32 @!p0 $0xFFFFF086;
	s6 =	sadd.s32 @!p0 s3, s7;
	s7 =	simm.s32 @!p0 $0x108  }
0x21: {  	s3 =	sadd.s32 s3, s9;
	s6 =	sadd.s32 @!p0 $0x88, s6;
	s7 =	simm.s32 @p2 $0x1082  }
0x22: {  	[simem:s7], [sflag:s8] =	dma.local @!p0 [hbm:s6], $0xF7A  }
0x23: {  	s9 =	sor.u32 $0xD0000000, s2;
	s6 =	simm.s32 $0x108;
	_ =	swait.ge @!p0 [sflag:s8], $0x0  }
0x24: {  	s3 =	sadd.s32 $0x88, s3;
	s6 =	simm.s32 @!p1 $0x1082;
	[sflag:s4] =	ssyncset.s32 $0xFFFFF086  }
0x25: {  	[simem:s6], [sflag:s4] =	dma.local [hbm:s3], $0xF7A  }
0x26: {  	[smem:$0x3F9A] =	sst s1;
	(tag) =	ssettag s2;
	_ =	strace s9  }
0x27: {  	s1 =	sld [smem:$0x3FAA]  }
0x28: {  	s2 =	sld [smem:$0x3FAB]  }
0x29: {  	s4 =	sld [smem:$0x3FAD]  }
0x2a: {  	p0 =	seq.s32 s5, $0x0;
	s5 =	sld [smem:$0x3FAE]  }
0x2b: {  	s6 =	sld [smem:$0x3FAF]  }
0x2c: {  	s7 =	sld [smem:$0x3FB0]  }
0x2d: {  	s3 =	simm.s32 $0x108;
	s8 =	sld [smem:$0x3FB1]  }
0x2e: {  	s3 =	simm.s32 @!p0 $0x1082;
	s9 =	sld [smem:$0x3FB2]  }
0x2f: {  	lr =	sadd.s32 s0, s3;
	s0 =	sld [smem:$0x3FA9]  }
0x30: {  	s3 =	sld [smem:$0x3FAC]  }
0x31: {  	[smem:$0x3FB5] =	sst s10  }
0x32: {  	s10 =	sld [smem:$0x3FB3];
	_ =	sdelay $0x3  }
0x33: {  	p0 =	seq.s32 s10, $0x1;
	s10 =	sld [smem:$0x3FB5];
	_ =	sdelay $0x3  }
0x34: {  	[smem:$0x3FB5] =	sst s10  }
0x35: {  	s10 =	sld [smem:$0x3FB4];
	_ =	sdelay $0x3  }
0x36: {  	p1 =	seq.s32 s10, $0x1;
	s10 =	sld [smem:$0x3FB5];
	_ =	sdelay $0x3  }
0x37: {  	[smem:$0x3FB5] =	sst s10  }
0x38: {  	s10 =	sld [smem:$0x3FB6]  }
0x39: {  	_ = 	snop;
	(pc) =	sbr.ind lr, $3  }
0x3a: {  	_ = 	snop  }
0x3b: {  	_ = 	snop  }
0x3c: {  	p2 =	seq.s32 s10, $0x1;
	s10 =	sld [smem:$0x3FB5]  }
0x3d: {  	_ =	shalt  }
0x3e: {  	_ =	shalt  }
0x3f: {  	_ =	shalt  }
0x40: {  	_ =	shalt  }
0x41: {  	_ =	shalt  }
0x42: {  	_ =	shalt  }
0x43: {  	_ =	shalt  }
0x44: {  	_ =	shalt  }
0x45: {  	_ =	shalt  }
0x46: {  	_ =	shalt  }
0x47: {  	_ =	shalt  }
0x48: {  	_ =	shalt  }
0x49: {  	_ =	shalt  }
0x4a: {  	_ =	shalt  }
0x4b: {  	_ =	shalt  }
0x4c: {  	_ =	shalt  }
0x4d: {  	_ =	shalt  }
0x4e: {  	_ =	shalt  }
0x4f: {  	_ =	shalt  }
0x50: {  	_ =	shalt  }
0x51: {  	_ =	shalt  }
0x52: {  	_ =	shalt  }
0x53: {  	_ =	shalt  }
0x54: {  	_ =	shalt  }
0x55: {  	_ =	shalt  }
0x56: {  	_ =	shalt  }
0x57: {  	_ =	shalt  }
0x58: {  	_ =	shalt  }
0x59: {  	_ =	shalt  }
0x5a: {  	_ =	shalt  }
0x5b: {  	_ =	shalt  }
0x5c: {  	_ =	shalt  }
0x5d: {  	_ =	shalt  }
0x5e: {  	_ =	shalt  }
0x5f: {  	_ =	shalt  }
0x60: {  	_ =	shalt  }
0x61: {  	_ =	shalt  }
0x62: {  	_ =	shalt  }
0x63: {  	_ =	shalt  }
0x64: {  	_ =	shalt  }
0x65: {  	_ =	shalt  }
0x66: {  	_ =	shalt  }
0x67: {  	_ =	shalt  }
0x68: {  	_ =	shalt  }
0x69: {  	_ =	shalt  }
0x6a: {  	_ =	shalt  }
0x6b: {  	_ =	shalt  }
0x6c: {  	_ =	shalt  }
0x6d: {  	_ =	shalt  }
0x6e: {  	_ =	shalt  }
0x6f: {  	_ =	shalt  }
0x70: {  	_ =	shalt  }
0x71: {  	_ =	shalt  }
0x72: {  	_ =	shalt  }
0x73: {  	_ =	shalt  }
0x74: {  	_ =	shalt  }
0x75: {  	_ =	shalt  }
0x76: {  	_ =	shalt  }
0x77: {  	_ =	shalt  }
0x78: {  	_ =	shalt  }
0x79: {  	_ =	shalt  }
0x7a: {  	_ =	shalt  }
0x7b: {  	_ =	shalt  }
0x7c: {  	_ =	shalt  }
0x7d: {  	_ =	shalt  }
0x7e: {  	_ =	shalt  }
0x7f: {  	_ =	shalt  }
0x80: {  	_ =	shalt  }
0x81: {  	_ =	shalt  }
0x82: {  	_ =	shalt  }
0x83: {  	_ =	shalt  }
0x84: {  	_ =	shalt  }
0x85: {  	_ =	shalt  }
0x86: {  	_ =	shalt  }
0x87: {  	_ =	shalt  }
.Lfunc_end0:
.L_simem_size_0:
called_computation_lowered:
.L_overlay_start_0:
0x88: {  	s2 =	sld [smem:$0x3FD9]  }
0x89: {  	s3 =	sld [smem:$0x3FFE];
	_ =	sdelay $0x1  }
0x8a: {  	s1 =	srdreg.scid  }
0x8b: {  	s0 =	sand.u32 $0x1, s1  }
0x8c: {  	s16 =	sshll.u32 s0, $0xA;
	s2 =	sadd.s32 s3, s2  }
0x8d: {  	s2 =	sadd.s32 s2, s16  }
0x8e: {  	[smem:$0x3FC1] =	sst s2  }
0x8f: {  	_ = 	snop  }
0x90: {  	(tm) =	ssettm $0x1  }
0x91: {  	s17 =	sld [smem:$0x3FFB];
	_ =	sdelay $0x3  }
0x92: {  	_ =	strace s17  }
0x93: {  	s2 =	sld [smem:$0x3FFC];
	_ =	sdelay $0x3  }
0x94: {  	_ =	strace s2  }
0x95: {  	s2 =	sld [smem:$0x3FFD];
	_ =	sdelay $0x3  }
0x96: {  	_ =	strace s2  }
0x97: {  	_ =	strace $0x8FFFFFFF  }
0x98: {  	s18 =	sld [smem:$0x3FDB];
	_ =	sdelay $0x1  }
0x99: {  	s19 =	simm.s32 $_scs_section_size  }
0x9a: {  	s4 =	simm.s32 $_size__tile_overlayer_lowered;
	s5 =	simm.s32 $_tile_overlayer_lowered  }
0x9b: {  	s22 =	simm.s32 $0x1BFF;
	s21 =	sshll.u32 s5, $0x1;
	s2 =	sadd.s32 s19, s18  }
0x9c: {  	s6 =	simm.s32 $0x0;
	s20 =	sshll.u32 s4, $0x1;
	s4 =	sadd.s32 s21, s2  }
0x9d: {  	[timem:s6], [sflag:s22] =	dma.local [hbm:s4], s20  }
0x9e: {  	_ =	swait.ge [sflag:s22], s20  }
0x9f: {  	s3 =	ssub.s32 $0x0, s20;
	[sflag:s22] =	ssyncset.done $0x0  }
0xa0: {  	[sflag:s22] =	ssyncadd.s32 s3;
	_ =	sdelay $0x1  }
0xa1: {  	s23 =	simm.s32 $0x1B8B  }
0xa2: {  	_ =	swait.ge [sflag:s23], $0x1  }
0xa3: {  	[sflag:s23] =	ssyncset.done $0x0  }
0xa4: {  	s25 =	simm.s32 $0x1B8E;
	s24 =	sld [smem:$0x3FFE];
	[sflag:s23] =	ssyncadd.s32 $0xFFFFFFFF  }
0xa5: {  	s26 =	simm.s32 $execute0_lowered;
	[smem:$0x3FD2] =	sst s25  }
0xa6: {  	s4 =	sshll.u32 s26, $0x1;
	_ =	strace $0x80000046;
	[dreg:$0x1] =	wrdreg $0xFFFFFFFF  }
0xa7: {  	s28 =	simm.s32 $_size_execute0_lowered;
	s2 =	sadd.s32 s2, s4;
	[dreg:$0x0] =	wrdreg $0x0  }
0xa8: {  	s4 =	sshll.u32 s28, $0x1;
	[dreg:$0x2] =	wrdreg s2  }
0xa9: {  	[dreg:$0x3] =	wrdreg s4  }
0xaa: {  	[dreg:$0x4] =	wrdreg $0xC0  }
0xab: {  	_ =	task [dreg:s6], $0x5FFFF  }
0xac: {  	[dreg:$0x1] =	wrdreg $0xFFFFFFFF  }
0xad: {  	[dreg:$0x0] =	wrdreg $0x60  }
0xae: {  	[dreg:$0x2] =	wrdreg s24  }
0xaf: {  	[dreg:$0x3] =	wrdreg $0x9  }
0xb0: {  	_ =	task.clear_ibuf [dreg:s6], $0x4FFFF;
	_ =	strace $0x90000046  }
0xb1: {  	s29 =	simm.s32 $0x9;
	_ =	strace $0x80000048  }
0xb2: {  	_ =	swait.ge [sflag:s29], $0x1  }
0xb3: {  	[sflag:s29] =	ssyncadd.s32 $0xFFFFFFFF  }
0xb4: {  	_ =	strace $0x90000048  }
0xb5: {  	_ =	sfence  }
0xb6: {  	s30 =	sld [smem:$0x0];
	_ =	sdelay $0x2  }
0xb7: {  	s31 =	sshll.u32 s1, $0xD;
	s1 =	sshrl.u32 s1, $0x2  }
0xb8: {  	s3 =	sand.u32 $0x4000, s31;
	s1 =	sadd.s32 s1, s30  }
0xb9: {  	s0 =	sor.u32 s3, s0;
	s1 =	sshll.u32 s1, $0x11  }
0xba: {  	s0 =	sor.u32 s1, s0  }
0xbb: {  	s0 =	sadd.s32 $0x8F2B, s0  }
0xbc: {  	[sflag:s0] =	ssyncadd.remote.s32 $0x1  }
0xbd: {  	_ =	sfence.sel $0xFFFF  }
0xbe: {  	[dreg:$0x0] =	wrdreg $0xFFFFFFFF;
	(pc) =	sbr.abs _section_cstart, $3  }
0xbf: {  	[dreg:$0x1] =	wrdreg $0xFFFFFFFF  }
0xc0: {  	_ =	task.clear_ibuf [dreg:s6], $0x2FFFF;
	_ =	strace $0x9FFFFFFF  }
0xc1: {  	(tm) =	ssettm $0x7FFFFFFF  }
tec
execute0_lowered:
.L_overlay_start_1:
0x0: {  	(tag) =	ssettag $0x1  }
0x1: {  	s5 =	rddreg [dreg:$0x0]  }
0x2: {  	s0 =	rddreg [dreg:$0x1];
	s2 =	simm.s32 $0x0  }
0x3: {  	s1 =	stileid.u32;
	s6 =	srdreg.scid;
	s16 =	simm.s32 $0x80  }
0x4: {  	s17 =	simm.s32 $0x6C80;
	s18 =	simm.s32 $0x6E80;
	s19 =	simm.s32 $0x1  }
0x5: {  	s20 =	simm.s32 $0x6D00;
	s21 =	simm.s32 $0x6D80;
	s22 =	simm.s32 $0x0  }
0x6: {  	[smem:$0x7FF] =	sst s2;
	s3 =	sadd.s32 $0x400, s5;
	s7 =	smul.u32 $0x30, s1  }
0x7: {  	s4 =	sadd.s32 $0xF4000, s5;
	s14 =	sand.u32 $0x1, s6;
	s9 =	smul.u32 $0xC000, s1  }
0x8: {  	s8 =	sadd.s32 $0x1400, s5;
	s12 =	smul.u32 $0x1800, s1;
	_ =	strace $0x80000047  }
0x9: {  	s6 =	ssub.s32 $0x2, s14;
	s13 =	sor.u32 s1, s14;
	p1 =	sne.s32 s14, $0x0  }
0xa: {  	s14 =	simm.s32 $0x6980;
	s10 =	sadd.s32 s7, s5;
	s5 =	sadd.s32 $0x1000, s5  }
.Ltmp0:
0xb: {  	s11 =	sshrl.u32 s6, $0x1;
	s9 =	sshrl.u32 s9, $0x3;
	(pc) =	sbr.rel .LBB2_1-.Ltmp0, $4  }
0xc: {  	p0 =	sne.s32 s13, $0x0;
	s13 =	simm.s32 $0x5100;
	s11 =	ssub.s32 s6, s11  }
0xd: {  	s6 =	sadd.s32 s5, s7;
	s15 =	sadd.s32 s8, s9;
	s7 =	sadd.s32 $0x19400, s10  }
0xe: {  	v2 =	vlaneseq.u32;
	s8 =	sadd.s32 s8, s12;
	s12 =	simm.s32 $0x2;
	s9 =	sadd.s32 $0x800, s15  }
0xf: {  	v0 =	vimm.s32 $0x0;
	v1 =	vor.u32 $0x1800, v2;
	v2 =	vadd.s32 $0x1, v2;
	s10 =	sadd.s32 $0x1000, s15;
	s11 =	smax.u32 s11, $0x1;
	s15 =	simm.s32 $0x6B00  }
.LBB2_10:
0x10: {  	v3 =	vld [tilespmem:s24+$0x6980];
	_ =	sdelay $0x4  }
0x11: {  	s25 =	sand.u32 $0x600, s25;
	s23 =	sadd.s32 $0x10, s23;
	vm0 =	vne.s32 v3, $0x0;
	v3 =	vadd.s32 $0xFFFFFFFF, v3  }
0x12: {  	s23 =	sand.u32 $0x70, s23;
	s25 =	sshrl.u32 s25, $0x2;
	v4 =	vsel vm0, $0x1, v0;
	vm15 =	vgt.s32 v3, $0x0  }
0x13: {  	s23 =	sor.u32 s23, s25;
	[tilespmem:s24+$0x6B00] =	vst v4;
	v3 =	vnsel vm15, $0x0, v3  }
0x14: {  	[tilespmem:s23+$0x6C80] =	vst v3  }
0x15: {  	[hbm4b:s7+s2] =	stream.linear.scatter [tilespmem:s15], [sflag:$0x2], $0x180, $0x38;
	[tilespmem:$0xAE80] =	vst v63  }
0x16: {  	_ =	swait.ge [sflag:s12], $0x180  }
0x17: {  	[sflag:s12] =	ssyncset.done $0x0  }
0x18: {  	[sflag:s12] =	ssyncadd.s32 $0xFFFFFE80  }
0x19: {  	[tilespmem:s18], [sflag:$0x1] =	stream.indirect.gather [hbm4b:s4+s16], $0x80, s17, s16, $0xb8;
	[tilespmem:$0xAE80] =	vst v63  }
0x1a: {  	_ =	swait.ge [sflag:s19], $0x4000  }
0x1b: {  	[sflag:s19] =	ssyncset.done $0x0  }
0x1c: {  	[sflag:s19] =	ssyncadd.s32 $0xFFFFC000  }
0x1d: {  	[hbm4b:s8+s2] =	stream.linear.scatter [tilespmem:s18], [sflag:$0x2], $0x4000, $0x38;
	[tilespmem:$0xAE80] =	vst v63  }
0x1e: {  	_ =	swait.ge [sflag:s12], $0x4000  }
0x1f: {  	[sflag:s12] =	ssyncset.done $0x0  }
0x20: {  	[sflag:s12] =	ssyncadd.s32 $0xFFFFC000  }
0x21: {  	[tilespmem:s18], [sflag:$0x1] =	stream.indirect.gather [hbm4b:s4+s16], $0x80, s20, s16, $0xb8;
	[tilespmem:$0xAE80] =	vst v63  }
0x22: {  	_ =	swait.ge [sflag:s19], $0x4000  }
0x23: {  	[sflag:s19] =	ssyncset.done $0x0  }
0x24: {  	[sflag:s19] =	ssyncadd.s32 $0xFFFFC000  }
0x25: {  	[hbm4b:s9+s2] =	stream.linear.scatter [tilespmem:s18], [sflag:$0x2], $0x4000, $0x38;
	[tilespmem:$0xAE80] =	vst v63  }
0x26: {  	_ =	swait.ge [sflag:s12], $0x4000  }
0x27: {  	[sflag:s12] =	ssyncset.done $0x0  }
0x28: {  	[sflag:s12] =	ssyncadd.s32 $0xFFFFC000  }
0x29: {  	[tilespmem:s18], [sflag:$0x1] =	stream.indirect.gather [hbm4b:s4+s16], $0x80, s21, s16, $0xb8;
	[tilespmem:$0xAE80] =	vst v63  }
0x2a: {  	_ =	swait.ge [sflag:s19], $0x4000  }
0x2b: {  	[sflag:s19] =	ssyncset.done $0x0  }
0x2c: {  	[sflag:s19] =	ssyncadd.s32 $0xFFFFC000  }
0x2d: {  	[hbm4b:s10+s2] =	stream.linear.scatter [tilespmem:s18], [sflag:$0x2], $0x4000, $0x38;
	[tilespmem:$0xAE80] =	vst v63  }
0x2e: {  	_ =	swait.ge [sflag:s12], $0x4000  }
0x2f: {  	[sflag:s12] =	ssyncset.done $0x0  }
0x30: {  	[sflag:s12] =	ssyncadd.s32 $0xFFFFC000  }
.LBB2_11:
0x31: {  	s22 =	sadd.s32 $0x1, s22  }
0x32: {  	p2 =	sne.s32 s22, s11  }
.Ltmp1:
0x33: {  	_ = 	snop;
	(pc) =	sbr.rel @!p2 .LBB2_12-.Ltmp1, $1  }
0x34: {  	_ =	sdelay $0x3  }
.LBB2_1:
.Ltmp2:
0x35: {  	(pc) =	sbr.rel @p0 .LBB2_7-.Ltmp2, $1  }
0x36: {  	_ =	sdelay $0x3  }
0x37: {  	s23 =	simm.s32 $0x0  }
0x38: {  	[tilespmem:s23], [sflag:$0x2] =	stream.linear.gather [hbm4b:s3+s23], $0x5100, $0x38;
	[tilespmem:$0xAE80] =	vst v63  }
0x39: {  	_ =	swait.ge [sflag:s12], $0x5100  }
0x3a: {  	[sflag:s12] =	ssyncset.done $0x0  }
0x3b: {  	s24 =	simm.s32 $0x40;
	s25 =	simm.s32 $0x0;
	[sflag:s12] =	ssyncadd.s32 $0xFFFFAF00  }
.LBB2_3:
0x3c: {  	p2 =	sne.s32 s24, $0x61C0;
	[tilespmem:s25+$0x5100] =	vst v0;
	s25 =	smov.u32 s24;
	s24 =	sadd.s32 $0x40, s24  }
.Ltmp3:
0x3d: {  	(pc) =	sbr.rel @p2 .LBB2_3-.Ltmp3, $2  }
0x3e: {  	_ =	sdelay $0x2  }
0x3f: {  	s25 =	sshra.s32 s25, $0x2  }
0x40: {  	[tilespmem:s25+$0x5100] =	vst v0  }
0x41: {  	s24 =	simm.s32 $0x10;
	s25 =	simm.s32 $0x0;
	v3 =	vld [tilespmem:s23+$0x0]  }
.LBB2_5:
0x42: {  	p2 =	sne.s32 s24, $0x50F0;
	_ =	sdelay $0x3  }
0x43: {  	vm0 =	vlt.s32 v3, $0x1800  }
0x44: {  	v3 =	vsel vm0, v3, v1;
	_ =	sdelay $0x1  }
.Ltmp4:
0x45: {  	(pc) =	sbr.rel @p2 .LBB2_5-.Ltmp4, $4  }
0x46: {  	_ = 	snop  }
0x47: {  	v4 =	vadd.s32 s23, v2;
	s23 =	smov.u32 s24  }
0x48: {  	s25 =	sadd.s32 $0x10, s25;
	[tilespmem:v3+s13+$0x0] =	vst.idx.msk vm0, v4  }
0x49: {  	s24 =	sadd.s32 $0x10, s24;
	v3 =	vld [tilespmem:s25+$0x0]  }
0x4a: {  	_ =	sdelay $0x3  }
0x4b: {  	vm0 =	vlt.s32 v3, $0x1800  }
0x4c: {  	v3 =	vsel vm0, v3, v1;
	_ =	sdelay $0x3  }
0x4d: {  	v4 =	vadd.s32 s23, v2  }
0x4e: {  	[tilespmem:v3+s13+$0x0] =	vst.idx.msk vm0, v4  }
0x4f: {  	[tilespmem:$0x6910] =	vst v0  }
0x50: {  	[hbm4b:s5+s2] =	stream.linear.scatter [tilespmem:s13], [sflag:$0x2], $0x1880, $0x38;
	[tilespmem:$0xAE80] =	vst v63  }
0x51: {  	_ =	swait.ge [sflag:s12], $0x1880  }
0x52: {  	[sflag:s12] =	ssyncset.done $0x0  }
0x53: {  	[sflag:s12] =	ssyncadd.s32 $0xFFFFE780  }
.LBB2_7:
.Ltmp5:
0x54: {  	(pc) =	sbr.rel @p1 .LBB2_11-.Ltmp5, $2  }
0x55: {  	_ =	sdelay $0x1  }
0x56: {  	[bflag:$0x0] =	sbarrier.arrive $0xFFFF;
	_ =	sdelay $0x1  }
0x57: {  	s23 =	simm.s32 $0x0  }
0x58: {  	[tilespmem:s14], [sflag:$0x2] =	stream.linear.gather [hbm4b:s6+s23], $0x180, $0x38;
	[tilespmem:$0xAE80] =	vst v63  }
0x59: {  	_ =	swait.ge [sflag:s12], $0x180  }
0x5a: {  	[sflag:s12] =	ssyncset.done $0x0  }
0x5b: {  	s24 =	simm.s32 $0x0;
	[sflag:s12] =	ssyncadd.s32 $0xFFFFFE80  }
0x5c: {  	v3 =	vld [tilespmem:s24+$0x6980];
	_ =	sdelay $0x4  }
0x5d: {  	s25 =	sand.u32 $0x600, s23;
	vm0 =	vne.s32 v3, $0x0;
	v3 =	vadd.s32 $0xFFFFFFFF, v3  }
0x5e: {  	s26 =	sand.u32 $0x70, s23;
	s25 =	sshrl.u32 s25, $0x2;
	v4 =	vsel vm0, $0x1, v0;
	vm15 =	vgt.s32 v3, $0x0  }
0x5f: {  	s28 =	sor.u32 s26, s25;
	[tilespmem:s24+$0x6B00] =	vst v4;
	v3 =	vnsel vm15, $0x0, v3  }
0x60: {  	s25 =	simm.s32 $0x40;
	s26 =	simm.s32 $0x80;
	s24 =	simm.s32 $0x10;
	[tilespmem:s28+$0x6C80] =	vst v3  }
.LBB2_9:
0x61: {  	p2 =	sne.s32 s26, $0x5C0;
	v3 =	vld [tilespmem:s24+$0x6980];
	_ =	sdelay $0x3  }
.Ltmp6:
0x62: {  	(pc) =	sbr.rel @p2 .LBB2_9-.Ltmp6, $4  }
0x63: {  	s28 =	sand.u32 $0x600, s25;
	s23 =	sadd.s32 $0x10, s23;
	s25 =	smov.u32 s26;
	vm0 =	vne.s32 v3, $0x0;
	v3 =	vadd.s32 $0xFFFFFFFF, v3  }
0x64: {  	s29 =	sand.u32 $0x70, s23;
	s28 =	sshrl.u32 s28, $0x2;
	v4 =	vsel vm0, $0x1, v0;
	vm0 =	vgt.s32 v3, $0x0  }
0x65: {  	s28 =	sor.u32 s29, s28;
	[tilespmem:s24+$0x6B00] =	vst v4;
	v3 =	vnsel vm0, $0x0, v3  }
0x66: {  	s26 =	sadd.s32 $0x40, s26;
	s24 =	sshra.s32 s25, $0x2;
	[tilespmem:s28+$0x6C80] =	vst v3  }
.Ltmp7:
0x67: {  	_ = 	snop;
	(pc) =	sbr.rel .LBB2_10-.Ltmp7, $1  }
0x68: {  	_ =	sdelay $0x3  }
.LBB2_12:
0x69: {  	_ =	sfence.sel $0x180000  }
0x6a: {  	[bflag:$0x0] =	sbarrier.arrive $0xFFFF  }
0x6b: {  	p0 =	sne.s32 s1, $0x0;
	_ =	strace $0x90000047  }
0x6c: {  	s0 =	sadd.s32 @!p0 $0x100000, s0;
	[bflag:$0x2] =	sbarrier.arrive $0xFFFF  }
0x6d: {  	[sflag:s0] =	ssyncadd.tile.s32 @!p0 $0x1;
	_ =	shalt  }
.Lfunc_end2:
_tile_overlayer_lowered:
.L_overlay_start_2:
0x6e: {  	(tag) =	ssettag $0x2  }
0x6f: {  	s0 =	rddreg [dreg:$0x0];
	s2 =	stileid.u32  }
0x70: {  	s1 =	rddreg [dreg:$0x1];
	p0 =	sne.s32 s2, $0x0  }
0x71: {  	s3 =	rddreg [dreg:$0x2];
	[bflag:$0x3] =	sbarrier.arrive $0xFFFF;
	s2 =	simm.s32 @!p0 $0x1C02  }
0x72: {  	[timem:s3], [sflag:s2] =	dma.local @!p0 [hbm:s0], s1  }
0x73: {  	s0 =	simm.s32 @!p0 $0x2  }
0x74: {  	_ =	swait.ge @!p0 [sflag:s0], s1  }
0x75: {  	s1 =	ssub.s32 @!p0 $0x0, s1;
	[sflag:s0] =	ssyncset.done @!p0 $0x0  }
0x76: {  	[sflag:s0] =	ssyncadd.s32 @!p0 s1  }
0x77: {  	[bflag:$0x3] =	sbarrier.arrive $0xFFFF  }
0x78: {  	_ =	shalt  }

</sc_bundles>
